<compile_context>
chip_gen: v7x
topology: tpu7x:2x2x1
jax: 0.10.2.dev20260603
libtpu: 0.0.44.dev20260713+nightly
codegen_flags: <defaults>
</compile_context>

<pallas_src>
import functools

import jax
import jax.numpy as jnp
import numpy as np
from jax import lax
from jax.experimental import pallas as pl
from jax.experimental.pallas import tpu as pltpu
from jax.experimental.pallas import tpu_sc as plsc

_BUCKETS = np.array([
    -1.0, -0.8666666746139526, -0.7333333492279053, -0.5999999642372131,
    -0.46666666865348816, -0.333333283662796, -0.19999994337558746,
    -0.0666666105389595, 0.06666672229766846, 0.20000004768371582,
    0.3333333730697632, 0.46666672825813293, 0.6000001430511475,
    0.7333334684371948, 0.8666667938232422, 1.0,
], dtype=np.float32)

_NBLK = 2


def kernel(x):
    batch, rows, cols = x.shape
    info = plsc.get_sparse_core_info()
    num_cores, num_subcores, lanes = info.num_cores, info.num_subcores, info.num_lanes
    num_workers = num_cores * num_subcores
    blocks_per_batch = num_workers // batch
    row_blk = rows // blocks_per_batch
    blk = row_blk // _NBLK
    col_groups = cols // lanes

    mesh = plsc.VectorSubcoreMesh(core_axis_name="c", subcore_axis_name="s")

    @functools.partial(
        pl.kernel,
        mesh=mesh,
        out_type=(
            jax.ShapeDtypeStruct((batch, rows, cols), jnp.int32),
            jax.ShapeDtypeStruct((batch, rows, cols), jnp.float32),
        ),
        scratch_types=[
            pltpu.VMEM((_BUCKETS.size,), jnp.float32),
            pltpu.VMEM((2, blk, cols), jnp.float32),
            pltpu.VMEM((2, blk, cols), jnp.int32),
            pltpu.VMEM((2, blk, cols), jnp.float32),
            pltpu.SemaphoreType.DMA((2,)),
            pltpu.SemaphoreType.DMA((2,)),
            pltpu.SemaphoreType.DMA((2,)),
        ],
    )
    def _quantize(x_hbm, b_hbm, idx_hbm, val_hbm, b_v, x_v, idx_v, val_v, isem, oisem, ovsem):
        wid = lax.axis_index("s") * num_cores + lax.axis_index("c")
        b = wid // blocks_per_batch
        r0 = (wid % blocks_per_batch) * row_blk
        pltpu.sync_copy(b_hbm, b_v)
        b_vec = b_v[...]
        dnums = lax.GatherDimensionNumbers(
            offset_dims=(), collapsed_slice_dims=(0,), start_index_map=(0,))

        def in_start(k):
            return pltpu.async_copy(
                x_hbm.at[b, pl.ds(r0 + k * blk, blk), :], x_v.at[k % 2],
                isem.at[k % 2])

        def compute(p):
            @plsc.parallel_loop(0, blk, step=1, unroll=1)
            def _loop(r):
                for c in range(col_groups):
                    v = x_v[p, r, pl.ds(c * lanes, lanes)]
                    v = jnp.minimum(jnp.maximum(v, -1.0), 1.0)
                    t = v * 7.5 + 8.0
                    q = t.astype(jnp.int32)
                    idx_v[p, r, pl.ds(c * lanes, lanes)] = q
                    val_v[p, r, pl.ds(c * lanes, lanes)] = lax.gather(
                        b_vec, q[:, None], dimension_numbers=dnums,
                        slice_sizes=(1,),
                        mode=lax.GatherScatterMode.PROMISE_IN_BOUNDS,
                    )

        def out_start(k):
            p = k % 2
            hi = pltpu.async_copy(
                idx_v.at[p], idx_hbm.at[b, pl.ds(r0 + k * blk, blk), :],
                oisem.at[p])
            hv = pltpu.async_copy(
                val_v.at[p], val_hbm.at[b, pl.ds(r0 + k * blk, blk), :],
                ovsem.at[p])
            return hi, hv

        h_in = {0: in_start(0)}
        h_out = {}
        for k in range(_NBLK):
            if k + 1 < _NBLK:
                h_in[k + 1] = in_start(k + 1)
            h_in[k].wait()
            if k >= 2:
                for h in h_out[k - 2]:
                    h.wait()
            compute(k % 2)
            h_out[k] = out_start(k)
        for k in (_NBLK - 2, _NBLK - 1):
            for h in h_out[k]:
                h.wait()

    return _quantize(x, jnp.asarray(_BUCKETS))

# --- scband reference (transcript-rebuilt; emitter-appended) ---
"""Pipeline reference for scband-iqae-quantizer-65687229825868 (READ-ONLY COPY).

The authoritative reference and input builder live on the scoring server;
editing this copy changes nothing except your own understanding.
"""

import jax, jax.numpy as jnp
import numpy as np

NUM_BUCKETS = 16

def setup_inputs(seed: int = 0) -> dict:
    key = jax.random.key(seed)
    x = jax.random.normal(key, (8, 1024, 64), dtype=jnp.float32)
    return {"x": x}

def reference(x):
    buckets = jnp.linspace(-1.0, 1.0, NUM_BUCKETS).astype(jnp.float32)
    x_clamped = jnp.clip(x, -1.0, 1.0)
    distances = jnp.abs(x_clamped[..., None] - buckets.reshape(1, 1, -1))
    quantized_indices = jnp.argmin(distances, axis=-1)
    quantized_values = buckets[quantized_indices]
    quantized_values = x_clamped + jax.lax.stop_gradient(quantized_values - x_clamped)
    return (quantized_indices, quantized_values)

if __name__ == "__main__":
    import jax
    _d = setup_inputs()
    print(jax.jit(kernel)(*tuple(_d.values())))

</pallas_src>

<mosaic_0001>
#map = affine_map<(d0, d1) -> (0, 0, 0)>
#map1 = affine_map<(d0, d1) -> (0)>
module attributes {stable_mosaic.version = 14 : i64} {
  func.func @_quantize(%arg0: i32, %arg1: i32, %arg2: memref<8x1024x64xf32, #tpu.memory_space<hbm>>, %arg3: memref<16xf32, #tpu.memory_space<hbm>>, %arg4: memref<8x1024x64xi32, #tpu.memory_space<hbm>>, %arg5: memref<8x1024x64xf32, #tpu.memory_space<hbm>>, %arg6: memref<16xf32, #tpu.memory_space<vmem>>, %arg7: memref<2x128x64xf32, #tpu.memory_space<vmem>>, %arg8: memref<2x128x64xi32, #tpu.memory_space<vmem>>, %arg9: memref<2x128x64xf32, #tpu.memory_space<vmem>>, %arg10: memref<2x!tpu.dma_semaphore, #tpu.memory_space<semaphore_mem>>, %arg11: memref<2x!tpu.dma_semaphore, #tpu.memory_space<semaphore_mem>>, %arg12: memref<2x!tpu.dma_semaphore, #tpu.memory_space<semaphore_mem>>) attributes {dimension_semantics = [#tpu.dimension_semantics<core_parallel>, #tpu.dimension_semantics<subcore_parallel>], iteration_bounds = array<i64: 2, 16>, scalar_prefetch = 0 : i64, scratch_operands = 7 : i64, tpu.core_type = #tpu.core_type<sc_vector_subcore>, window_params = [{transform_indices = #map}, {transform_indices = #map1}, {transform_indices = #map}, {transform_indices = #map}]} {
    %mul3A = arith.constant 2 : i32
    %mul3A_0 = arith.muli %arg1, %mul3A : i32
    %add3A = arith.addi %mul3A_0, %arg0 : i32
    %jit3A = arith.constant 4 : i32
    %div3A = arith.divsi %add3A, %jit3A : i32
    %sign3A = arith.constant 0 : i32
    %sign3A_1 = arith.cmpi sgt, %add3A, %sign3A : i32
    %sign3A_2 = arith.extui %sign3A_1 : i1 to i32
    %sign3A_3 = arith.constant 0 : i32
    %sign3A_4 = arith.cmpi slt, %add3A, %sign3A_3 : i32
    %sign3A_5 = arith.extui %sign3A_4 : i1 to i32
    %sign3A_6 = arith.subi %sign3A_2, %sign3A_5 : i32
    %sign3A_7 = arith.constant 0 : i32
    %sign3A_8 = arith.cmpi sgt, %jit3A, %sign3A_7 : i32
    %sign3A_9 = arith.extui %sign3A_8 : i1 to i32
    %sign3A_10 = arith.constant 0 : i32
    %sign3A_11 = arith.cmpi slt, %jit3A, %sign3A_10 : i32
    %sign3A_12 = arith.extui %sign3A_11 : i1 to i32
    %sign3A_13 = arith.subi %sign3A_9, %sign3A_12 : i32
    %ne3A = arith.cmpi ne, %sign3A_6, %sign3A_13 : i32
    %rem3A = arith.remsi %add3A, %jit3A : i32
    %ne3A_14 = arith.constant 0 : i32
    %ne3A_15 = arith.cmpi ne, %rem3A, %ne3A_14 : i32
    %and3A = arith.andi %ne3A, %ne3A_15 : i1
    %sub3A = arith.constant 1 : i32
    %sub3A_16 = arith.subi %div3A, %sub3A : i32
    %select_n3A = arith.select %and3A, %sub3A_16, %div3A : i32
    %jit3A_17 = arith.constant 4 : i32
    %eq3A = arith.constant 0 : i32
    %eq3A_18 = arith.cmpi eq, %jit3A_17, %eq3A : i32
    %jit3A_19 = arith.constant 1 : i32
    %select_n3A_20 = arith.select %eq3A_18, %jit3A_19, %jit3A_17 : i32
    %rem3A_21 = arith.remsi %add3A, %select_n3A_20 : i32
    %ne3A_22 = arith.constant 0 : i32
    %ne3A_23 = arith.cmpi ne, %rem3A_21, %ne3A_22 : i32
    %lt3A = arith.constant 0 : i32
    %lt3A_24 = arith.cmpi slt, %rem3A_21, %lt3A : i32
    %lt3A_25 = arith.constant 0 : i32
    %lt3A_26 = arith.cmpi slt, %select_n3A_20, %lt3A_25 : i32
    %ne3A_27 = arith.xori %lt3A_24, %lt3A_26 : i1
    %and3A_28 = arith.andi %ne3A_27, %ne3A_23 : i1
    %add3A_29 = arith.addi %rem3A_21, %select_n3A_20 : i32
    %select_n3A_30 = arith.select %and3A_28, %add3A_29, %rem3A_21 : i32
    %mul3A_31 = arith.constant 256 : i32
    %mul3A_32 = arith.muli %select_n3A_30, %mul3A_31 : i32
    "tpu.region"() ({
      %run_scoped3A = tpu.sem_alloc : memref<!tpu.dma_semaphore, #tpu.memory_space<semaphore_mem>>
      tpu.enqueue_dma source(%arg3 : memref<16xf32, #tpu.memory_space<hbm>>) target(%arg6 : memref<16xf32, #tpu.memory_space<vmem>>) target_semaphore(%run_scoped3A : memref<!tpu.dma_semaphore, #tpu.memory_space<semaphore_mem>>)
      tpu.wait_dma2 semaphore(%run_scoped3A : memref<!tpu.dma_semaphore, #tpu.memory_space<semaphore_mem>>) src(%arg3 : memref<16xf32, #tpu.memory_space<hbm>>) dst(%arg6 : memref<16xf32, #tpu.memory_space<vmem>>)
      tpu.yield
    }) : () -> ()
    %get3A = arith.constant 0 : index
    %get3A_33 = tpu.vector_load %arg6[%get3A] {strides = array<i32>} : memref<16xf32, #tpu.memory_space<vmem>>, vector<16xf32>,
    %get3A_34 = vector.shape_cast %get3A_33 : vector<16xf32> to vector<16xf32>
    %add3A_35 = arith.constant 0 : i32
    %add3A_36 = arith.addi %mul3A_32, %add3A_35 : i32
    %dma_start3A = arith.constant 0 : i32
    %dma_start3A_37 = arith.constant 0 : i32
    %dma_start3A_38 = arith.constant 0 : i32
    %dma_start3A_39 = arith.constant 0 : i32
    %dma_start3A_40 = tpu.memref_slice %arg7[%dma_start3A, %dma_start3A_38, %dma_start3A_39] : memref<2x128x64xf32, #tpu.memory_space<vmem>> -> memref<1x128x64xf32, #tpu.memory_space<vmem>>
    %dma_start3A_41 = tpu.memref_squeeze %dma_start3A_40 : memref<1x128x64xf32, #tpu.memory_space<vmem>> -> memref<128x64xf32, #tpu.memory_space<vmem>>
    %dma_start3A_42 = arith.constant 0 : i32
    %dma_start3A_43 = tpu.memref_slice %arg2[%select_n3A, %add3A_36, %dma_start3A_42] : memref<8x1024x64xf32, #tpu.memory_space<hbm>> -> memref<1x128x64xf32, #tpu.memory_space<hbm>>
    %dma_start3A_44 = tpu.memref_squeeze %dma_start3A_43 : memref<1x128x64xf32, #tpu.memory_space<hbm>> -> memref<128x64xf32, #tpu.memory_space<hbm>>
    %dma_start3A_45 = tpu.memref_slice %arg10[%dma_start3A_37] : memref<2x!tpu.dma_semaphore, #tpu.memory_space<semaphore_mem>> -> memref<1x!tpu.dma_semaphore, #tpu.memory_space<semaphore_mem>>
    %dma_start3A_46 = tpu.memref_squeeze %dma_start3A_45 : memref<1x!tpu.dma_semaphore, #tpu.memory_space<semaphore_mem>> -> memref<!tpu.dma_semaphore, #tpu.memory_space<semaphore_mem>>
    %dma_start3A_47 = arith.constant 0 : i32
    %dma_start3A_48 = arith.constant 0 : i32
    %dma_start3A_49 = tpu.memref_slice %arg7[%dma_start3A, %dma_start3A_47, %dma_start3A_48] : memref<2x128x64xf32, #tpu.memory_space<vmem>> -> memref<1x128x64xf32, #tpu.memory_space<vmem>>
    %dma_start3A_50 = tpu.memref_squeeze %dma_start3A_49 : memref<1x128x64xf32, #tpu.memory_space<vmem>> -> memref<128x64xf32, #tpu.memory_space<vmem>>
    %dma_start3A_51 = arith.constant 0 : i32
    %dma_start3A_52 = tpu.memref_slice %arg2[%select_n3A, %add3A_36, %dma_start3A_51] : memref<8x1024x64xf32, #tpu.memory_space<hbm>> -> memref<1x128x64xf32, #tpu.memory_space<hbm>>
    %dma_start3A_53 = tpu.memref_squeeze %dma_start3A_52 : memref<1x128x64xf32, #tpu.memory_space<hbm>> -> memref<128x64xf32, #tpu.memory_space<hbm>>
    tpu.enqueue_dma source(%dma_start3A_53 : memref<128x64xf32, #tpu.memory_space<hbm>>) target(%dma_start3A_50 : memref<128x64xf32, #tpu.memory_space<vmem>>) target_semaphore(%dma_start3A_46 : memref<!tpu.dma_semaphore, #tpu.memory_space<semaphore_mem>>)
    %add3A_54 = arith.constant 128 : i32
    %add3A_55 = arith.addi %mul3A_32, %add3A_54 : i32
    %dma_start3A_56 = arith.constant 1 : i32
    %dma_start3A_57 = arith.constant 1 : i32
    %dma_start3A_58 = arith.constant 0 : i32
    %dma_start3A_59 = arith.constant 0 : i32
    %dma_start3A_60 = tpu.memref_slice %arg7[%dma_start3A_56, %dma_start3A_58, %dma_start3A_59] : memref<2x128x64xf32, #tpu.memory_space<vmem>> -> memref<1x128x64xf32, #tpu.memory_space<vmem>>
    %dma_start3A_61 = tpu.memref_squeeze %dma_start3A_60 : memref<1x128x64xf32, #tpu.memory_space<vmem>> -> memref<128x64xf32, #tpu.memory_space<vmem>>
    %dma_start3A_62 = arith.constant 0 : i32
    %dma_start3A_63 = tpu.memref_slice %arg2[%select_n3A, %add3A_55, %dma_start3A_62] : memref<8x1024x64xf32, #tpu.memory_space<hbm>> -> memref<1x128x64xf32, #tpu.memory_space<hbm>>
    %dma_start3A_64 = tpu.memref_squeeze %dma_start3A_63 : memref<1x128x64xf32, #tpu.memory_space<hbm>> -> memref<128x64xf32, #tpu.memory_space<hbm>>
    %dma_start3A_65 = tpu.memref_slice %arg10[%dma_start3A_57] : memref<2x!tpu.dma_semaphore, #tpu.memory_space<semaphore_mem>> -> memref<1x!tpu.dma_semaphore, #tpu.memory_space<semaphore_mem>>
    %dma_start3A_66 = tpu.memref_squeeze %dma_start3A_65 : memref<1x!tpu.dma_semaphore, #tpu.memory_space<semaphore_mem>> -> memref<!tpu.dma_semaphore, #tpu.memory_space<semaphore_mem>>
    %dma_start3A_67 = arith.constant 0 : i32
    %dma_start3A_68 = arith.constant 0 : i32
    %dma_start3A_69 = tpu.memref_slice %arg7[%dma_start3A_56, %dma_start3A_67, %dma_start3A_68] : memref<2x128x64xf32, #tpu.memory_space<vmem>> -> memref<1x128x64xf32, #tpu.memory_space<vmem>>
    %dma_start3A_70 = tpu.memref_squeeze %dma_start3A_69 : memref<1x128x64xf32, #tpu.memory_space<vmem>> -> memref<128x64xf32, #tpu.memory_space<vmem>>
    %dma_start3A_71 = arith.constant 0 : i32
    %dma_start3A_72 = tpu.memref_slice %arg2[%select_n3A, %add3A_55, %dma_start3A_71] : memref<8x1024x64xf32, #tpu.memory_space<hbm>> -> memref<1x128x64xf32, #tpu.memory_space<hbm>>
    %dma_start3A_73 = tpu.memref_squeeze %dma_start3A_72 : memref<1x128x64xf32, #tpu.memory_space<hbm>> -> memref<128x64xf32, #tpu.memory_space<hbm>>
    tpu.enqueue_dma source(%dma_start3A_73 : memref<128x64xf32, #tpu.memory_space<hbm>>) target(%dma_start3A_70 : memref<128x64xf32, #tpu.memory_space<vmem>>) target_semaphore(%dma_start3A_66 : memref<!tpu.dma_semaphore, #tpu.memory_space<semaphore_mem>>)
    %dma_wait3A = arith.constant 0 : i32
    %dma_wait3A_74 = arith.constant 0 : i32
    %dma_wait3A_75 = arith.constant 0 : i32
    %dma_wait3A_76 = arith.constant 0 : i32
    %dma_wait3A_77 = tpu.memref_slice %arg7[%dma_wait3A, %dma_wait3A_75, %dma_wait3A_76] : memref<2x128x64xf32, #tpu.memory_space<vmem>> -> memref<1x128x64xf32, #tpu.memory_space<vmem>>
    %dma_wait3A_78 = tpu.memref_squeeze %dma_wait3A_77 : memref<1x128x64xf32, #tpu.memory_space<vmem>> -> memref<128x64xf32, #tpu.memory_space<vmem>>
    %dma_wait3A_79 = arith.constant 0 : i32
    %dma_wait3A_80 = tpu.memref_slice %arg2[%select_n3A, %add3A_36, %dma_wait3A_79] : memref<8x1024x64xf32, #tpu.memory_space<hbm>> -> memref<1x128x64xf32, #tpu.memory_space<hbm>>
    %dma_wait3A_81 = tpu.memref_squeeze %dma_wait3A_80 : memref<1x128x64xf32, #tpu.memory_space<hbm>> -> memref<128x64xf32, #tpu.memory_space<hbm>>
    %dma_wait3A_82 = tpu.memref_slice %arg10[%dma_wait3A_74] : memref<2x!tpu.dma_semaphore, #tpu.memory_space<semaphore_mem>> -> memref<1x!tpu.dma_semaphore, #tpu.memory_space<semaphore_mem>>
    %dma_wait3A_83 = tpu.memref_squeeze %dma_wait3A_82 : memref<1x!tpu.dma_semaphore, #tpu.memory_space<semaphore_mem>> -> memref<!tpu.dma_semaphore, #tpu.memory_space<semaphore_mem>>
    %dma_wait3A_84 = arith.constant 0 : i32
    %dma_wait3A_85 = arith.constant 0 : i32
    %dma_wait3A_86 = tpu.memref_slice %arg7[%dma_wait3A, %dma_wait3A_84, %dma_wait3A_85] : memref<2x128x64xf32, #tpu.memory_space<vmem>> -> memref<1x128x64xf32, #tpu.memory_space<vmem>>
    %dma_wait3A_87 = tpu.memref_squeeze %dma_wait3A_86 : memref<1x128x64xf32, #tpu.memory_space<vmem>> -> memref<128x64xf32, #tpu.memory_space<vmem>>
    %dma_wait3A_88 = arith.constant 0 : i32
    %dma_wait3A_89 = tpu.memref_slice %arg2[%select_n3A, %add3A_36, %dma_wait3A_88] : memref<8x1024x64xf32, #tpu.memory_space<hbm>> -> memref<1x128x64xf32, #tpu.memory_space<hbm>>
    %dma_wait3A_90 = tpu.memref_squeeze %dma_wait3A_89 : memref<1x128x64xf32, #tpu.memory_space<hbm>> -> memref<128x64xf32, #tpu.memory_space<hbm>>
    tpu.wait_dma2 semaphore(%dma_wait3A_83 : memref<!tpu.dma_semaphore, #tpu.memory_space<semaphore_mem>>) src(%dma_wait3A_90 : memref<128x64xf32, #tpu.memory_space<hbm>>) dst(%dma_wait3A_87 : memref<128x64xf32, #tpu.memory_space<vmem>>)
    %parallel_loop3A = arith.constant 0 : i32
    %parallel_loop3A_91 = arith.constant 128 : i32
    %parallel_loop3A_92 = arith.constant 1 : i32
    scf.for %parallel_loop3A_266 = %parallel_loop3A to %parallel_loop3A_91 step %parallel_loop3A_92  : i32 {
      %parallel_loop3A_267 = arith.constant 0 : i32
      %parallel_loop3A_268 = arith.index_cast %parallel_loop3A_267 : i32 to index
      %parallel_loop3A_269 = arith.index_cast %parallel_loop3A_266 : i32 to index
      %parallel_loop3A_270 = arith.constant 0 : index
      %parallel_loop3A_271 = tpu.vector_load %arg7[%parallel_loop3A_268, %parallel_loop3A_269, %parallel_loop3A_270] {strides = array<i32>} : memref<2x128x64xf32, #tpu.memory_space<vmem>>, vector<1x1x16xf32>,
      %parallel_loop3A_272 = vector.shape_cast %parallel_loop3A_271 : vector<1x1x16xf32> to vector<16xf32>
      %parallel_loop3A_273 = arith.constant -1.000000e+00 : f32
      %parallel_loop3A_274 = vector.broadcast %parallel_loop3A_273 : f32 to vector<16xf32>
      %parallel_loop3A_275 = arith.maximumf %parallel_loop3A_272, %parallel_loop3A_274 : vector<16xf32>
      %parallel_loop3A_276 = arith.constant 1.000000e+00 : f32
      %parallel_loop3A_277 = vector.broadcast %parallel_loop3A_276 : f32 to vector<16xf32>
      %parallel_loop3A_278 = arith.minimumf %parallel_loop3A_275, %parallel_loop3A_277 : vector<16xf32>
      %parallel_loop3A_279 = arith.constant 7.500000e+00 : f32
      %parallel_loop3A_280 = vector.broadcast %parallel_loop3A_279 : f32 to vector<16xf32>
      %parallel_loop3A_281 = arith.mulf %parallel_loop3A_278, %parallel_loop3A_280 : vector<16xf32>
      %parallel_loop3A_282 = arith.constant 8.000000e+00 : f32
      %parallel_loop3A_283 = vector.broadcast %parallel_loop3A_282 : f32 to vector<16xf32>
      %parallel_loop3A_284 = arith.addf %parallel_loop3A_281, %parallel_loop3A_283 : vector<16xf32>
      %parallel_loop3A_285 = arith.fptosi %parallel_loop3A_284 : vector<16xf32> to vector<16xi32>
      %parallel_loop3A_286 = arith.constant 0 : i32
      %parallel_loop3A_287 = arith.index_cast %parallel_loop3A_286 : i32 to index
      %parallel_loop3A_288 = arith.index_cast %parallel_loop3A_266 : i32 to index
      %parallel_loop3A_289 = arith.constant 0 : index
      %parallel_loop3A_290 = tpu.vector_load %arg8[%parallel_loop3A_287, %parallel_loop3A_288, %parallel_loop3A_289] {strides = array<i32>} : memref<2x128x64xi32, #tpu.memory_space<vmem>>, vector<1x1x16xi32>,
      %parallel_loop3A_291 = vector.shape_cast %parallel_loop3A_290 : vector<1x1x16xi32> to vector<16xi32>
      %parallel_loop3A_292 = vector.shape_cast %parallel_loop3A_285 : vector<16xi32> to vector<1x1x16xi32>
      tpu.vector_store %arg8[%parallel_loop3A_287, %parallel_loop3A_288, %parallel_loop3A_289], %parallel_loop3A_292 {strides = array<i32>} : memref<2x128x64xi32, #tpu.memory_space<vmem>>, vector<1x1x16xi32>,
      %parallel_loop3A_293 = vector.shape_cast %parallel_loop3A_285 : vector<16xi32> to vector<16x1xi32>
      %parallel_loop3A_294 = vector.shape_cast %parallel_loop3A_293 : vector<16x1xi32> to vector<16xi32>
      %parallel_loop3A_295 = tpu.dynamic_gather %get3A_34[%parallel_loop3A_294] in [0] : vector<16xf32>, vector<16xi32> -> vector<16xf32>
      %parallel_loop3A_296 = arith.constant 0 : i32
      %parallel_loop3A_297 = arith.index_cast %parallel_loop3A_296 : i32 to index
      %parallel_loop3A_298 = arith.index_cast %parallel_loop3A_266 : i32 to index
      %parallel_loop3A_299 = arith.constant 0 : index
      %parallel_loop3A_300 = tpu.vector_load %arg9[%parallel_loop3A_297, %parallel_loop3A_298, %parallel_loop3A_299] {strides = array<i32>} : memref<2x128x64xf32, #tpu.memory_space<vmem>>, vector<1x1x16xf32>,
      %parallel_loop3A_301 = vector.shape_cast %parallel_loop3A_300 : vector<1x1x16xf32> to vector<16xf32>
      %parallel_loop3A_302 = vector.shape_cast %parallel_loop3A_295 : vector<16xf32> to vector<1x1x16xf32>
      tpu.vector_store %arg9[%parallel_loop3A_297, %parallel_loop3A_298, %parallel_loop3A_299], %parallel_loop3A_302 {strides = array<i32>} : memref<2x128x64xf32, #tpu.memory_space<vmem>>, vector<1x1x16xf32>,
      %parallel_loop3A_303 = arith.constant 0 : i32
      %parallel_loop3A_304 = arith.index_cast %parallel_loop3A_303 : i32 to index
      %parallel_loop3A_305 = arith.index_cast %parallel_loop3A_266 : i32 to index
      %parallel_loop3A_306 = arith.constant 16 : index
      %parallel_loop3A_307 = tpu.vector_load %arg7[%parallel_loop3A_304, %parallel_loop3A_305, %parallel_loop3A_306] {strides = array<i32>} : memref<2x128x64xf32, #tpu.memory_space<vmem>>, vector<1x1x16xf32>,
      %parallel_loop3A_308 = vector.shape_cast %parallel_loop3A_307 : vector<1x1x16xf32> to vector<16xf32>
      %parallel_loop3A_309 = arith.constant -1.000000e+00 : f32
      %parallel_loop3A_310 = vector.broadcast %parallel_loop3A_309 : f32 to vector<16xf32>
      %parallel_loop3A_311 = arith.maximumf %parallel_loop3A_308, %parallel_loop3A_310 : vector<16xf32>
      %parallel_loop3A_312 = arith.constant 1.000000e+00 : f32
      %parallel_loop3A_313 = vector.broadcast %parallel_loop3A_312 : f32 to vector<16xf32>
      %parallel_loop3A_314 = arith.minimumf %parallel_loop3A_311, %parallel_loop3A_313 : vector<16xf32>
      %parallel_loop3A_315 = arith.constant 7.500000e+00 : f32
      %parallel_loop3A_316 = vector.broadcast %parallel_loop3A_315 : f32 to vector<16xf32>
      %parallel_loop3A_317 = arith.mulf %parallel_loop3A_314, %parallel_loop3A_316 : vector<16xf32>
      %parallel_loop3A_318 = arith.constant 8.000000e+00 : f32
      %parallel_loop3A_319 = vector.broadcast %parallel_loop3A_318 : f32 to vector<16xf32>
      %parallel_loop3A_320 = arith.addf %parallel_loop3A_317, %parallel_loop3A_319 : vector<16xf32>
      %parallel_loop3A_321 = arith.fptosi %parallel_loop3A_320 : vector<16xf32> to vector<16xi32>
      %parallel_loop3A_322 = arith.constant 0 : i32
      %parallel_loop3A_323 = arith.index_cast %parallel_loop3A_322 : i32 to index
      %parallel_loop3A_324 = arith.index_cast %parallel_loop3A_266 : i32 to index
      %parallel_loop3A_325 = arith.constant 16 : index
      %parallel_loop3A_326 = tpu.vector_load %arg8[%parallel_loop3A_323, %parallel_loop3A_324, %parallel_loop3A_325] {strides = array<i32>} : memref<2x128x64xi32, #tpu.memory_space<vmem>>, vector<1x1x16xi32>,
      %parallel_loop3A_327 = vector.shape_cast %parallel_loop3A_326 : vector<1x1x16xi32> to vector<16xi32>
      %parallel_loop3A_328 = vector.shape_cast %parallel_loop3A_321 : vector<16xi32> to vector<1x1x16xi32>
      tpu.vector_store %arg8[%parallel_loop3A_323, %parallel_loop3A_324, %parallel_loop3A_325], %parallel_loop3A_328 {strides = array<i32>} : memref<2x128x64xi32, #tpu.memory_space<vmem>>, vector<1x1x16xi32>,
      %parallel_loop3A_329 = vector.shape_cast %parallel_loop3A_321 : vector<16xi32> to vector<16x1xi32>
      %parallel_loop3A_330 = vector.shape_cast %parallel_loop3A_329 : vector<16x1xi32> to vector<16xi32>
      %parallel_loop3A_331 = tpu.dynamic_gather %get3A_34[%parallel_loop3A_330] in [0] : vector<16xf32>, vector<16xi32> -> vector<16xf32>
      %parallel_loop3A_332 = arith.constant 0 : i32
      %parallel_loop3A_333 = arith.index_cast %parallel_loop3A_332 : i32 to index
      %parallel_loop3A_334 = arith.index_cast %parallel_loop3A_266 : i32 to index
      %parallel_loop3A_335 = arith.constant 16 : index
      %parallel_loop3A_336 = tpu.vector_load %arg9[%parallel_loop3A_333, %parallel_loop3A_334, %parallel_loop3A_335] {strides = array<i32>} : memref<2x128x64xf32, #tpu.memory_space<vmem>>, vector<1x1x16xf32>,
      %parallel_loop3A_337 = vector.shape_cast %parallel_loop3A_336 : vector<1x1x16xf32> to vector<16xf32>
      %parallel_loop3A_338 = vector.shape_cast %parallel_loop3A_331 : vector<16xf32> to vector<1x1x16xf32>
      tpu.vector_store %arg9[%parallel_loop3A_333, %parallel_loop3A_334, %parallel_loop3A_335], %parallel_loop3A_338 {strides = array<i32>} : memref<2x128x64xf32, #tpu.memory_space<vmem>>, vector<1x1x16xf32>,
      %parallel_loop3A_339 = arith.constant 0 : i32
      %parallel_loop3A_340 = arith.index_cast %parallel_loop3A_339 : i32 to index
      %parallel_loop3A_341 = arith.index_cast %parallel_loop3A_266 : i32 to index
      %parallel_loop3A_342 = arith.constant 32 : index
      %parallel_loop3A_343 = tpu.vector_load %arg7[%parallel_loop3A_340, %parallel_loop3A_341, %parallel_loop3A_342] {strides = array<i32>} : memref<2x128x64xf32, #tpu.memory_space<vmem>>, vector<1x1x16xf32>,
      %parallel_loop3A_344 = vector.shape_cast %parallel_loop3A_343 : vector<1x1x16xf32> to vector<16xf32>
      %parallel_loop3A_345 = arith.constant -1.000000e+00 : f32
      %parallel_loop3A_346 = vector.broadcast %parallel_loop3A_345 : f32 to vector<16xf32>
      %parallel_loop3A_347 = arith.maximumf %parallel_loop3A_344, %parallel_loop3A_346 : vector<16xf32>
      %parallel_loop3A_348 = arith.constant 1.000000e+00 : f32
      %parallel_loop3A_349 = vector.broadcast %parallel_loop3A_348 : f32 to vector<16xf32>
      %parallel_loop3A_350 = arith.minimumf %parallel_loop3A_347, %parallel_loop3A_349 : vector<16xf32>
      %parallel_loop3A_351 = arith.constant 7.500000e+00 : f32
      %parallel_loop3A_352 = vector.broadcast %parallel_loop3A_351 : f32 to vector<16xf32>
      %parallel_loop3A_353 = arith.mulf %parallel_loop3A_350, %parallel_loop3A_352 : vector<16xf32>
      %parallel_loop3A_354 = arith.constant 8.000000e+00 : f32
      %parallel_loop3A_355 = vector.broadcast %parallel_loop3A_354 : f32 to vector<16xf32>
      %parallel_loop3A_356 = arith.addf %parallel_loop3A_353, %parallel_loop3A_355 : vector<16xf32>
      %parallel_loop3A_357 = arith.fptosi %parallel_loop3A_356 : vector<16xf32> to vector<16xi32>
      %parallel_loop3A_358 = arith.constant 0 : i32
      %parallel_loop3A_359 = arith.index_cast %parallel_loop3A_358 : i32 to index
      %parallel_loop3A_360 = arith.index_cast %parallel_loop3A_266 : i32 to index
      %parallel_loop3A_361 = arith.constant 32 : index
      %parallel_loop3A_362 = tpu.vector_load %arg8[%parallel_loop3A_359, %parallel_loop3A_360, %parallel_loop3A_361] {strides = array<i32>} : memref<2x128x64xi32, #tpu.memory_space<vmem>>, vector<1x1x16xi32>,
      %parallel_loop3A_363 = vector.shape_cast %parallel_loop3A_362 : vector<1x1x16xi32> to vector<16xi32>
      %parallel_loop3A_364 = vector.shape_cast %parallel_loop3A_357 : vector<16xi32> to vector<1x1x16xi32>
      tpu.vector_store %arg8[%parallel_loop3A_359, %parallel_loop3A_360, %parallel_loop3A_361], %parallel_loop3A_364 {strides = array<i32>} : memref<2x128x64xi32, #tpu.memory_space<vmem>>, vector<1x1x16xi32>,
      %parallel_loop3A_365 = vector.shape_cast %parallel_loop3A_357 : vector<16xi32> to vector<16x1xi32>
      %parallel_loop3A_366 = vector.shape_cast %parallel_loop3A_365 : vector<16x1xi32> to vector<16xi32>
      %parallel_loop3A_367 = tpu.dynamic_gather %get3A_34[%parallel_loop3A_366] in [0] : vector<16xf32>, vector<16xi32> -> vector<16xf32>
      %parallel_loop3A_368 = arith.constant 0 : i32
      %parallel_loop3A_369 = arith.index_cast %parallel_loop3A_368 : i32 to index
      %parallel_loop3A_370 = arith.index_cast %parallel_loop3A_266 : i32 to index
      %parallel_loop3A_371 = arith.constant 32 : index
      %parallel_loop3A_372 = tpu.vector_load %arg9[%parallel_loop3A_369, %parallel_loop3A_370, %parallel_loop3A_371] {strides = array<i32>} : memref<2x128x64xf32, #tpu.memory_space<vmem>>, vector<1x1x16xf32>,
      %parallel_loop3A_373 = vector.shape_cast %parallel_loop3A_372 : vector<1x1x16xf32> to vector<16xf32>
      %parallel_loop3A_374 = vector.shape_cast %parallel_loop3A_367 : vector<16xf32> to vector<1x1x16xf32>
      tpu.vector_store %arg9[%parallel_loop3A_369, %parallel_loop3A_370, %parallel_loop3A_371], %parallel_loop3A_374 {strides = array<i32>} : memref<2x128x64xf32, #tpu.memory_space<vmem>>, vector<1x1x16xf32>,
      %parallel_loop3A_375 = arith.constant 0 : i32
      %parallel_loop3A_376 = arith.index_cast %parallel_loop3A_375 : i32 to index
      %parallel_loop3A_377 = arith.index_cast %parallel_loop3A_266 : i32 to index
      %parallel_loop3A_378 = arith.constant 48 : index
      %parallel_loop3A_379 = tpu.vector_load %arg7[%parallel_loop3A_376, %parallel_loop3A_377, %parallel_loop3A_378] {strides = array<i32>} : memref<2x128x64xf32, #tpu.memory_space<vmem>>, vector<1x1x16xf32>,
      %parallel_loop3A_380 = vector.shape_cast %parallel_loop3A_379 : vector<1x1x16xf32> to vector<16xf32>
      %parallel_loop3A_381 = arith.constant -1.000000e+00 : f32
      %parallel_loop3A_382 = vector.broadcast %parallel_loop3A_381 : f32 to vector<16xf32>
      %parallel_loop3A_383 = arith.maximumf %parallel_loop3A_380, %parallel_loop3A_382 : vector<16xf32>
      %parallel_loop3A_384 = arith.constant 1.000000e+00 : f32
      %parallel_loop3A_385 = vector.broadcast %parallel_loop3A_384 : f32 to vector<16xf32>
      %parallel_loop3A_386 = arith.minimumf %parallel_loop3A_383, %parallel_loop3A_385 : vector<16xf32>
      %parallel_loop3A_387 = arith.constant 7.500000e+00 : f32
      %parallel_loop3A_388 = vector.broadcast %parallel_loop3A_387 : f32 to vector<16xf32>
      %parallel_loop3A_389 = arith.mulf %parallel_loop3A_386, %parallel_loop3A_388 : vector<16xf32>
      %parallel_loop3A_390 = arith.constant 8.000000e+00 : f32
      %parallel_loop3A_391 = vector.broadcast %parallel_loop3A_390 : f32 to vector<16xf32>
      %parallel_loop3A_392 = arith.addf %parallel_loop3A_389, %parallel_loop3A_391 : vector<16xf32>
      %parallel_loop3A_393 = arith.fptosi %parallel_loop3A_392 : vector<16xf32> to vector<16xi32>
      %parallel_loop3A_394 = arith.constant 0 : i32
      %parallel_loop3A_395 = arith.index_cast %parallel_loop3A_394 : i32 to index
      %parallel_loop3A_396 = arith.index_cast %parallel_loop3A_266 : i32 to index
      %parallel_loop3A_397 = arith.constant 48 : index
      %parallel_loop3A_398 = tpu.vector_load %arg8[%parallel_loop3A_395, %parallel_loop3A_396, %parallel_loop3A_397] {strides = array<i32>} : memref<2x128x64xi32, #tpu.memory_space<vmem>>, vector<1x1x16xi32>,
      %parallel_loop3A_399 = vector.shape_cast %parallel_loop3A_398 : vector<1x1x16xi32> to vector<16xi32>
      %parallel_loop3A_400 = vector.shape_cast %parallel_loop3A_393 : vector<16xi32> to vector<1x1x16xi32>
      tpu.vector_store %arg8[%parallel_loop3A_395, %parallel_loop3A_396, %parallel_loop3A_397], %parallel_loop3A_400 {strides = array<i32>} : memref<2x128x64xi32, #tpu.memory_space<vmem>>, vector<1x1x16xi32>,
      %parallel_loop3A_401 = vector.shape_cast %parallel_loop3A_393 : vector<16xi32> to vector<16x1xi32>
      %parallel_loop3A_402 = vector.shape_cast %parallel_loop3A_401 : vector<16x1xi32> to vector<16xi32>
      %parallel_loop3A_403 = tpu.dynamic_gather %get3A_34[%parallel_loop3A_402] in [0] : vector<16xf32>, vector<16xi32> -> vector<16xf32>
      %parallel_loop3A_404 = arith.constant 0 : i32
      %parallel_loop3A_405 = arith.index_cast %parallel_loop3A_404 : i32 to index
      %parallel_loop3A_406 = arith.index_cast %parallel_loop3A_266 : i32 to index
      %parallel_loop3A_407 = arith.constant 48 : index
      %parallel_loop3A_408 = tpu.vector_load %arg9[%parallel_loop3A_405, %parallel_loop3A_406, %parallel_loop3A_407] {strides = array<i32>} : memref<2x128x64xf32, #tpu.memory_space<vmem>>, vector<1x1x16xf32>,
      %parallel_loop3A_409 = vector.shape_cast %parallel_loop3A_408 : vector<1x1x16xf32> to vector<16xf32>
      %parallel_loop3A_410 = vector.shape_cast %parallel_loop3A_403 : vector<16xf32> to vector<1x1x16xf32>
      tpu.vector_store %arg9[%parallel_loop3A_405, %parallel_loop3A_406, %parallel_loop3A_407], %parallel_loop3A_410 {strides = array<i32>} : memref<2x128x64xf32, #tpu.memory_space<vmem>>, vector<1x1x16xf32>,
    } {sc.loop_unroll_factor = 1 : i64, sc.parallel_access}
    %add3A_93 = arith.constant 0 : i32
    %add3A_94 = arith.addi %mul3A_32, %add3A_93 : i32
    %dma_start3A_95 = arith.constant 0 : i32
    %dma_start3A_96 = arith.constant 0 : i32
    %dma_start3A_97 = arith.constant 0 : i32
    %dma_start3A_98 = arith.constant 0 : i32
    %dma_start3A_99 = tpu.memref_slice %arg8[%dma_start3A_95, %dma_start3A_97, %dma_start3A_98] : memref<2x128x64xi32, #tpu.memory_space<vmem>> -> memref<1x128x64xi32, #tpu.memory_space<vmem>>
    %dma_start3A_100 = tpu.memref_squeeze %dma_start3A_99 : memref<1x128x64xi32, #tpu.memory_space<vmem>> -> memref<128x64xi32, #tpu.memory_space<vmem>>
    %dma_start3A_101 = arith.constant 0 : i32
    %dma_start3A_102 = tpu.memref_slice %arg4[%select_n3A, %add3A_94, %dma_start3A_101] : memref<8x1024x64xi32, #tpu.memory_space<hbm>> -> memref<1x128x64xi32, #tpu.memory_space<hbm>>
    %dma_start3A_103 = tpu.memref_squeeze %dma_start3A_102 : memref<1x128x64xi32, #tpu.memory_space<hbm>> -> memref<128x64xi32, #tpu.memory_space<hbm>>
    %dma_start3A_104 = tpu.memref_slice %arg11[%dma_start3A_96] : memref<2x!tpu.dma_semaphore, #tpu.memory_space<semaphore_mem>> -> memref<1x!tpu.dma_semaphore, #tpu.memory_space<semaphore_mem>>
    %dma_start3A_105 = tpu.memref_squeeze %dma_start3A_104 : memref<1x!tpu.dma_semaphore, #tpu.memory_space<semaphore_mem>> -> memref<!tpu.dma_semaphore, #tpu.memory_space<semaphore_mem>>
    %dma_start3A_106 = arith.constant 0 : i32
    %dma_start3A_107 = tpu.memref_slice %arg4[%select_n3A, %add3A_94, %dma_start3A_106] : memref<8x1024x64xi32, #tpu.memory_space<hbm>> -> memref<1x128x64xi32, #tpu.memory_space<hbm>>
    %dma_start3A_108 = tpu.memref_squeeze %dma_start3A_107 : memref<1x128x64xi32, #tpu.memory_space<hbm>> -> memref<128x64xi32, #tpu.memory_space<hbm>>
    %dma_start3A_109 = arith.constant 0 : i32
    %dma_start3A_110 = arith.constant 0 : i32
    %dma_start3A_111 = tpu.memref_slice %arg8[%dma_start3A_95, %dma_start3A_109, %dma_start3A_110] : memref<2x128x64xi32, #tpu.memory_space<vmem>> -> memref<1x128x64xi32, #tpu.memory_space<vmem>>
    %dma_start3A_112 = tpu.memref_squeeze %dma_start3A_111 : memref<1x128x64xi32, #tpu.memory_space<vmem>> -> memref<128x64xi32, #tpu.memory_space<vmem>>
    tpu.enqueue_dma source(%dma_start3A_112 : memref<128x64xi32, #tpu.memory_space<vmem>>) target(%dma_start3A_108 : memref<128x64xi32, #tpu.memory_space<hbm>>) target_semaphore(%dma_start3A_105 : memref<!tpu.dma_semaphore, #tpu.memory_space<semaphore_mem>>)
    %add3A_113 = arith.constant 0 : i32
    %add3A_114 = arith.addi %mul3A_32, %add3A_113 : i32
    %dma_start3A_115 = arith.constant 0 : i32
    %dma_start3A_116 = arith.constant 0 : i32
    %dma_start3A_117 = arith.constant 0 : i32
    %dma_start3A_118 = arith.constant 0 : i32
    %dma_start3A_119 = tpu.memref_slice %arg9[%dma_start3A_115, %dma_start3A_117, %dma_start3A_118] : memref<2x128x64xf32, #tpu.memory_space<vmem>> -> memref<1x128x64xf32, #tpu.memory_space<vmem>>
    %dma_start3A_120 = tpu.memref_squeeze %dma_start3A_119 : memref<1x128x64xf32, #tpu.memory_space<vmem>> -> memref<128x64xf32, #tpu.memory_space<vmem>>
    %dma_start3A_121 = arith.constant 0 : i32
    %dma_start3A_122 = tpu.memref_slice %arg5[%select_n3A, %add3A_114, %dma_start3A_121] : memref<8x1024x64xf32, #tpu.memory_space<hbm>> -> memref<1x128x64xf32, #tpu.memory_space<hbm>>
    %dma_start3A_123 = tpu.memref_squeeze %dma_start3A_122 : memref<1x128x64xf32, #tpu.memory_space<hbm>> -> memref<128x64xf32, #tpu.memory_space<hbm>>
    %dma_start3A_124 = tpu.memref_slice %arg12[%dma_start3A_116] : memref<2x!tpu.dma_semaphore, #tpu.memory_space<semaphore_mem>> -> memref<1x!tpu.dma_semaphore, #tpu.memory_space<semaphore_mem>>
    %dma_start3A_125 = tpu.memref_squeeze %dma_start3A_124 : memref<1x!tpu.dma_semaphore, #tpu.memory_space<semaphore_mem>> -> memref<!tpu.dma_semaphore, #tpu.memory_space<semaphore_mem>>
    %dma_start3A_126 = arith.constant 0 : i32
    %dma_start3A_127 = tpu.memref_slice %arg5[%select_n3A, %add3A_114, %dma_start3A_126] : memref<8x1024x64xf32, #tpu.memory_space<hbm>> -> memref<1x128x64xf32, #tpu.memory_space<hbm>>
    %dma_start3A_128 = tpu.memref_squeeze %dma_start3A_127 : memref<1x128x64xf32, #tpu.memory_space<hbm>> -> memref<128x64xf32, #tpu.memory_space<hbm>>
    %dma_start3A_129 = arith.constant 0 : i32
    %dma_start3A_130 = arith.constant 0 : i32
    %dma_start3A_131 = tpu.memref_slice %arg9[%dma_start3A_115, %dma_start3A_129, %dma_start3A_130] : memref<2x128x64xf32, #tpu.memory_space<vmem>> -> memref<1x128x64xf32, #tpu.memory_space<vmem>>
    %dma_start3A_132 = tpu.memref_squeeze %dma_start3A_131 : memref<1x128x64xf32, #tpu.memory_space<vmem>> -> memref<128x64xf32, #tpu.memory_space<vmem>>
    tpu.enqueue_dma source(%dma_start3A_132 : memref<128x64xf32, #tpu.memory_space<vmem>>) target(%dma_start3A_128 : memref<128x64xf32, #tpu.memory_space<hbm>>) target_semaphore(%dma_start3A_125 : memref<!tpu.dma_semaphore, #tpu.memory_space<semaphore_mem>>)
    %dma_wait3A_133 = arith.constant 1 : i32
    %dma_wait3A_134 = arith.constant 1 : i32
    %dma_wait3A_135 = arith.constant 0 : i32
    %dma_wait3A_136 = arith.constant 0 : i32
    %dma_wait3A_137 = tpu.memref_slice %arg7[%dma_wait3A_133, %dma_wait3A_135, %dma_wait3A_136] : memref<2x128x64xf32, #tpu.memory_space<vmem>> -> memref<1x128x64xf32, #tpu.memory_space<vmem>>
    %dma_wait3A_138 = tpu.memref_squeeze %dma_wait3A_137 : memref<1x128x64xf32, #tpu.memory_space<vmem>> -> memref<128x64xf32, #tpu.memory_space<vmem>>
    %dma_wait3A_139 = arith.constant 0 : i32
    %dma_wait3A_140 = tpu.memref_slice %arg2[%select_n3A, %add3A_55, %dma_wait3A_139] : memref<8x1024x64xf32, #tpu.memory_space<hbm>> -> memref<1x128x64xf32, #tpu.memory_space<hbm>>
    %dma_wait3A_141 = tpu.memref_squeeze %dma_wait3A_140 : memref<1x128x64xf32, #tpu.memory_space<hbm>> -> memref<128x64xf32, #tpu.memory_space<hbm>>
    %dma_wait3A_142 = tpu.memref_slice %arg10[%dma_wait3A_134] : memref<2x!tpu.dma_semaphore, #tpu.memory_space<semaphore_mem>> -> memref<1x!tpu.dma_semaphore, #tpu.memory_space<semaphore_mem>>
    %dma_wait3A_143 = tpu.memref_squeeze %dma_wait3A_142 : memref<1x!tpu.dma_semaphore, #tpu.memory_space<semaphore_mem>> -> memref<!tpu.dma_semaphore, #tpu.memory_space<semaphore_mem>>
    %dma_wait3A_144 = arith.constant 0 : i32
    %dma_wait3A_145 = arith.constant 0 : i32
    %dma_wait3A_146 = tpu.memref_slice %arg7[%dma_wait3A_133, %dma_wait3A_144, %dma_wait3A_145] : memref<2x128x64xf32, #tpu.memory_space<vmem>> -> memref<1x128x64xf32, #tpu.memory_space<vmem>>
    %dma_wait3A_147 = tpu.memref_squeeze %dma_wait3A_146 : memref<1x128x64xf32, #tpu.memory_space<vmem>> -> memref<128x64xf32, #tpu.memory_space<vmem>>
    %dma_wait3A_148 = arith.constant 0 : i32
    %dma_wait3A_149 = tpu.memref_slice %arg2[%select_n3A, %add3A_55, %dma_wait3A_148] : memref<8x1024x64xf32, #tpu.memory_space<hbm>> -> memref<1x128x64xf32, #tpu.memory_space<hbm>>
    %dma_wait3A_150 = tpu.memref_squeeze %dma_wait3A_149 : memref<1x128x64xf32, #tpu.memory_space<hbm>> -> memref<128x64xf32, #tpu.memory_space<hbm>>
    tpu.wait_dma2 semaphore(%dma_wait3A_143 : memref<!tpu.dma_semaphore, #tpu.memory_space<semaphore_mem>>) src(%dma_wait3A_150 : memref<128x64xf32, #tpu.memory_space<hbm>>) dst(%dma_wait3A_147 : memref<128x64xf32, #tpu.memory_space<vmem>>)
    %parallel_loop3A_151 = arith.constant 0 : i32
    %parallel_loop3A_152 = arith.constant 128 : i32
    %parallel_loop3A_153 = arith.constant 1 : i32
    scf.for %parallel_loop3A_266 = %parallel_loop3A_151 to %parallel_loop3A_152 step %parallel_loop3A_153  : i32 {
      %parallel_loop3A_267 = arith.constant 1 : i32
      %parallel_loop3A_268 = arith.index_cast %parallel_loop3A_267 : i32 to index
      %parallel_loop3A_269 = arith.index_cast %parallel_loop3A_266 : i32 to index
      %parallel_loop3A_270 = arith.constant 0 : index
      %parallel_loop3A_271 = tpu.vector_load %arg7[%parallel_loop3A_268, %parallel_loop3A_269, %parallel_loop3A_270] {strides = array<i32>} : memref<2x128x64xf32, #tpu.memory_space<vmem>>, vector<1x1x16xf32>,
      %parallel_loop3A_272 = vector.shape_cast %parallel_loop3A_271 : vector<1x1x16xf32> to vector<16xf32>
      %parallel_loop3A_273 = arith.constant -1.000000e+00 : f32
      %parallel_loop3A_274 = vector.broadcast %parallel_loop3A_273 : f32 to vector<16xf32>
      %parallel_loop3A_275 = arith.maximumf %parallel_loop3A_272, %parallel_loop3A_274 : vector<16xf32>
      %parallel_loop3A_276 = arith.constant 1.000000e+00 : f32
      %parallel_loop3A_277 = vector.broadcast %parallel_loop3A_276 : f32 to vector<16xf32>
      %parallel_loop3A_278 = arith.minimumf %parallel_loop3A_275, %parallel_loop3A_277 : vector<16xf32>
      %parallel_loop3A_279 = arith.constant 7.500000e+00 : f32
      %parallel_loop3A_280 = vector.broadcast %parallel_loop3A_279 : f32 to vector<16xf32>
      %parallel_loop3A_281 = arith.mulf %parallel_loop3A_278, %parallel_loop3A_280 : vector<16xf32>
      %parallel_loop3A_282 = arith.constant 8.000000e+00 : f32
      %parallel_loop3A_283 = vector.broadcast %parallel_loop3A_282 : f32 to vector<16xf32>
      %parallel_loop3A_284 = arith.addf %parallel_loop3A_281, %parallel_loop3A_283 : vector<16xf32>
      %parallel_loop3A_285 = arith.fptosi %parallel_loop3A_284 : vector<16xf32> to vector<16xi32>
      %parallel_loop3A_286 = arith.constant 1 : i32
      %parallel_loop3A_287 = arith.index_cast %parallel_loop3A_286 : i32 to index
      %parallel_loop3A_288 = arith.index_cast %parallel_loop3A_266 : i32 to index
      %parallel_loop3A_289 = arith.constant 0 : index
      %parallel_loop3A_290 = tpu.vector_load %arg8[%parallel_loop3A_287, %parallel_loop3A_288, %parallel_loop3A_289] {strides = array<i32>} : memref<2x128x64xi32, #tpu.memory_space<vmem>>, vector<1x1x16xi32>,
      %parallel_loop3A_291 = vector.shape_cast %parallel_loop3A_290 : vector<1x1x16xi32> to vector<16xi32>
      %parallel_loop3A_292 = vector.shape_cast %parallel_loop3A_285 : vector<16xi32> to vector<1x1x16xi32>
      tpu.vector_store %arg8[%parallel_loop3A_287, %parallel_loop3A_288, %parallel_loop3A_289], %parallel_loop3A_292 {strides = array<i32>} : memref<2x128x64xi32, #tpu.memory_space<vmem>>, vector<1x1x16xi32>,
      %parallel_loop3A_293 = vector.shape_cast %parallel_loop3A_285 : vector<16xi32> to vector<16x1xi32>
      %parallel_loop3A_294 = vector.shape_cast %parallel_loop3A_293 : vector<16x1xi32> to vector<16xi32>
      %parallel_loop3A_295 = tpu.dynamic_gather %get3A_34[%parallel_loop3A_294] in [0] : vector<16xf32>, vector<16xi32> -> vector<16xf32>
      %parallel_loop3A_296 = arith.constant 1 : i32
      %parallel_loop3A_297 = arith.index_cast %parallel_loop3A_296 : i32 to index
      %parallel_loop3A_298 = arith.index_cast %parallel_loop3A_266 : i32 to index
      %parallel_loop3A_299 = arith.constant 0 : index
      %parallel_loop3A_300 = tpu.vector_load %arg9[%parallel_loop3A_297, %parallel_loop3A_298, %parallel_loop3A_299] {strides = array<i32>} : memref<2x128x64xf32, #tpu.memory_space<vmem>>, vector<1x1x16xf32>,
      %parallel_loop3A_301 = vector.shape_cast %parallel_loop3A_300 : vector<1x1x16xf32> to vector<16xf32>
      %parallel_loop3A_302 = vector.shape_cast %parallel_loop3A_295 : vector<16xf32> to vector<1x1x16xf32>
      tpu.vector_store %arg9[%parallel_loop3A_297, %parallel_loop3A_298, %parallel_loop3A_299], %parallel_loop3A_302 {strides = array<i32>} : memref<2x128x64xf32, #tpu.memory_space<vmem>>, vector<1x1x16xf32>,
      %parallel_loop3A_303 = arith.constant 1 : i32
      %parallel_loop3A_304 = arith.index_cast %parallel_loop3A_303 : i32 to index
      %parallel_loop3A_305 = arith.index_cast %parallel_loop3A_266 : i32 to index
      %parallel_loop3A_306 = arith.constant 16 : index
      %parallel_loop3A_307 = tpu.vector_load %arg7[%parallel_loop3A_304, %parallel_loop3A_305, %parallel_loop3A_306] {strides = array<i32>} : memref<2x128x64xf32, #tpu.memory_space<vmem>>, vector<1x1x16xf32>,
      %parallel_loop3A_308 = vector.shape_cast %parallel_loop3A_307 : vector<1x1x16xf32> to vector<16xf32>
      %parallel_loop3A_309 = arith.constant -1.000000e+00 : f32
      %parallel_loop3A_310 = vector.broadcast %parallel_loop3A_309 : f32 to vector<16xf32>
      %parallel_loop3A_311 = arith.maximumf %parallel_loop3A_308, %parallel_loop3A_310 : vector<16xf32>
      %parallel_loop3A_312 = arith.constant 1.000000e+00 : f32
      %parallel_loop3A_313 = vector.broadcast %parallel_loop3A_312 : f32 to vector<16xf32>
      %parallel_loop3A_314 = arith.minimumf %parallel_loop3A_311, %parallel_loop3A_313 : vector<16xf32>
      %parallel_loop3A_315 = arith.constant 7.500000e+00 : f32
      %parallel_loop3A_316 = vector.broadcast %parallel_loop3A_315 : f32 to vector<16xf32>
      %parallel_loop3A_317 = arith.mulf %parallel_loop3A_314, %parallel_loop3A_316 : vector<16xf32>
      %parallel_loop3A_318 = arith.constant 8.000000e+00 : f32
      %parallel_loop3A_319 = vector.broadcast %parallel_loop3A_318 : f32 to vector<16xf32>
      %parallel_loop3A_320 = arith.addf %parallel_loop3A_317, %parallel_loop3A_319 : vector<16xf32>
      %parallel_loop3A_321 = arith.fptosi %parallel_loop3A_320 : vector<16xf32> to vector<16xi32>
      %parallel_loop3A_322 = arith.constant 1 : i32
      %parallel_loop3A_323 = arith.index_cast %parallel_loop3A_322 : i32 to index
      %parallel_loop3A_324 = arith.index_cast %parallel_loop3A_266 : i32 to index
      %parallel_loop3A_325 = arith.constant 16 : index
      %parallel_loop3A_326 = tpu.vector_load %arg8[%parallel_loop3A_323, %parallel_loop3A_324, %parallel_loop3A_325] {strides = array<i32>} : memref<2x128x64xi32, #tpu.memory_space<vmem>>, vector<1x1x16xi32>,
      %parallel_loop3A_327 = vector.shape_cast %parallel_loop3A_326 : vector<1x1x16xi32> to vector<16xi32>
      %parallel_loop3A_328 = vector.shape_cast %parallel_loop3A_321 : vector<16xi32> to vector<1x1x16xi32>
      tpu.vector_store %arg8[%parallel_loop3A_323, %parallel_loop3A_324, %parallel_loop3A_325], %parallel_loop3A_328 {strides = array<i32>} : memref<2x128x64xi32, #tpu.memory_space<vmem>>, vector<1x1x16xi32>,
      %parallel_loop3A_329 = vector.shape_cast %parallel_loop3A_321 : vector<16xi32> to vector<16x1xi32>
      %parallel_loop3A_330 = vector.shape_cast %parallel_loop3A_329 : vector<16x1xi32> to vector<16xi32>
      %parallel_loop3A_331 = tpu.dynamic_gather %get3A_34[%parallel_loop3A_330] in [0] : vector<16xf32>, vector<16xi32> -> vector<16xf32>
      %parallel_loop3A_332 = arith.constant 1 : i32
      %parallel_loop3A_333 = arith.index_cast %parallel_loop3A_332 : i32 to index
      %parallel_loop3A_334 = arith.index_cast %parallel_loop3A_266 : i32 to index
      %parallel_loop3A_335 = arith.constant 16 : index
      %parallel_loop3A_336 = tpu.vector_load %arg9[%parallel_loop3A_333, %parallel_loop3A_334, %parallel_loop3A_335] {strides = array<i32>} : memref<2x128x64xf32, #tpu.memory_space<vmem>>, vector<1x1x16xf32>,
      %parallel_loop3A_337 = vector.shape_cast %parallel_loop3A_336 : vector<1x1x16xf32> to vector<16xf32>
      %parallel_loop3A_338 = vector.shape_cast %parallel_loop3A_331 : vector<16xf32> to vector<1x1x16xf32>
      tpu.vector_store %arg9[%parallel_loop3A_333, %parallel_loop3A_334, %parallel_loop3A_335], %parallel_loop3A_338 {strides = array<i32>} : memref<2x128x64xf32, #tpu.memory_space<vmem>>, vector<1x1x16xf32>,
      %parallel_loop3A_339 = arith.constant 1 : i32
      %parallel_loop3A_340 = arith.index_cast %parallel_loop3A_339 : i32 to index
      %parallel_loop3A_341 = arith.index_cast %parallel_loop3A_266 : i32 to index
      %parallel_loop3A_342 = arith.constant 32 : index
      %parallel_loop3A_343 = tpu.vector_load %arg7[%parallel_loop3A_340, %parallel_loop3A_341, %parallel_loop3A_342] {strides = array<i32>} : memref<2x128x64xf32, #tpu.memory_space<vmem>>, vector<1x1x16xf32>,
      %parallel_loop3A_344 = vector.shape_cast %parallel_loop3A_343 : vector<1x1x16xf32> to vector<16xf32>
      %parallel_loop3A_345 = arith.constant -1.000000e+00 : f32
      %parallel_loop3A_346 = vector.broadcast %parallel_loop3A_345 : f32 to vector<16xf32>
      %parallel_loop3A_347 = arith.maximumf %parallel_loop3A_344, %parallel_loop3A_346 : vector<16xf32>
      %parallel_loop3A_348 = arith.constant 1.000000e+00 : f32
      %parallel_loop3A_349 = vector.broadcast %parallel_loop3A_348 : f32 to vector<16xf32>
      %parallel_loop3A_350 = arith.minimumf %parallel_loop3A_347, %parallel_loop3A_349 : vector<16xf32>
      %parallel_loop3A_351 = arith.constant 7.500000e+00 : f32
      %parallel_loop3A_352 = vector.broadcast %parallel_loop3A_351 : f32 to vector<16xf32>
      %parallel_loop3A_353 = arith.mulf %parallel_loop3A_350, %parallel_loop3A_352 : vector<16xf32>
      %parallel_loop3A_354 = arith.constant 8.000000e+00 : f32
      %parallel_loop3A_355 = vector.broadcast %parallel_loop3A_354 : f32 to vector<16xf32>
      %parallel_loop3A_356 = arith.addf %parallel_loop3A_353, %parallel_loop3A_355 : vector<16xf32>
      %parallel_loop3A_357 = arith.fptosi %parallel_loop3A_356 : vector<16xf32> to vector<16xi32>
      %parallel_loop3A_358 = arith.constant 1 : i32
      %parallel_loop3A_359 = arith.index_cast %parallel_loop3A_358 : i32 to index
      %parallel_loop3A_360 = arith.index_cast %parallel_loop3A_266 : i32 to index
      %parallel_loop3A_361 = arith.constant 32 : index
      %parallel_loop3A_362 = tpu.vector_load %arg8[%parallel_loop3A_359, %parallel_loop3A_360, %parallel_loop3A_361] {strides = array<i32>} : memref<2x128x64xi32, #tpu.memory_space<vmem>>, vector<1x1x16xi32>,
      %parallel_loop3A_363 = vector.shape_cast %parallel_loop3A_362 : vector<1x1x16xi32> to vector<16xi32>
      %parallel_loop3A_364 = vector.shape_cast %parallel_loop3A_357 : vector<16xi32> to vector<1x1x16xi32>
      tpu.vector_store %arg8[%parallel_loop3A_359, %parallel_loop3A_360, %parallel_loop3A_361], %parallel_loop3A_364 {strides = array<i32>} : memref<2x128x64xi32, #tpu.memory_space<vmem>>, vector<1x1x16xi32>,
      %parallel_loop3A_365 = vector.shape_cast %parallel_loop3A_357 : vector<16xi32> to vector<16x1xi32>
      %parallel_loop3A_366 = vector.shape_cast %parallel_loop3A_365 : vector<16x1xi32> to vector<16xi32>
      %parallel_loop3A_367 = tpu.dynamic_gather %get3A_34[%parallel_loop3A_366] in [0] : vector<16xf32>, vector<16xi32> -> vector<16xf32>
      %parallel_loop3A_368 = arith.constant 1 : i32
      %parallel_loop3A_369 = arith.index_cast %parallel_loop3A_368 : i32 to index
      %parallel_loop3A_370 = arith.index_cast %parallel_loop3A_266 : i32 to index
      %parallel_loop3A_371 = arith.constant 32 : index
      %parallel_loop3A_372 = tpu.vector_load %arg9[%parallel_loop3A_369, %parallel_loop3A_370, %parallel_loop3A_371] {strides = array<i32>} : memref<2x128x64xf32, #tpu.memory_space<vmem>>, vector<1x1x16xf32>,
      %parallel_loop3A_373 = vector.shape_cast %parallel_loop3A_372 : vector<1x1x16xf32> to vector<16xf32>
      %parallel_loop3A_374 = vector.shape_cast %parallel_loop3A_367 : vector<16xf32> to vector<1x1x16xf32>
      tpu.vector_store %arg9[%parallel_loop3A_369, %parallel_loop3A_370, %parallel_loop3A_371], %parallel_loop3A_374 {strides = array<i32>} : memref<2x128x64xf32, #tpu.memory_space<vmem>>, vector<1x1x16xf32>,
      %parallel_loop3A_375 = arith.constant 1 : i32
      %parallel_loop3A_376 = arith.index_cast %parallel_loop3A_375 : i32 to index
      %parallel_loop3A_377 = arith.index_cast %parallel_loop3A_266 : i32 to index
      %parallel_loop3A_378 = arith.constant 48 : index
      %parallel_loop3A_379 = tpu.vector_load %arg7[%parallel_loop3A_376, %parallel_loop3A_377, %parallel_loop3A_378] {strides = array<i32>} : memref<2x128x64xf32, #tpu.memory_space<vmem>>, vector<1x1x16xf32>,
      %parallel_loop3A_380 = vector.shape_cast %parallel_loop3A_379 : vector<1x1x16xf32> to vector<16xf32>
      %parallel_loop3A_381 = arith.constant -1.000000e+00 : f32
      %parallel_loop3A_382 = vector.broadcast %parallel_loop3A_381 : f32 to vector<16xf32>
      %parallel_loop3A_383 = arith.maximumf %parallel_loop3A_380, %parallel_loop3A_382 : vector<16xf32>
      %parallel_loop3A_384 = arith.constant 1.000000e+00 : f32
      %parallel_loop3A_385 = vector.broadcast %parallel_loop3A_384 : f32 to vector<16xf32>
      %parallel_loop3A_386 = arith.minimumf %parallel_loop3A_383, %parallel_loop3A_385 : vector<16xf32>
      %parallel_loop3A_387 = arith.constant 7.500000e+00 : f32
      %parallel_loop3A_388 = vector.broadcast %parallel_loop3A_387 : f32 to vector<16xf32>
      %parallel_loop3A_389 = arith.mulf %parallel_loop3A_386, %parallel_loop3A_388 : vector<16xf32>
      %parallel_loop3A_390 = arith.constant 8.000000e+00 : f32
      %parallel_loop3A_391 = vector.broadcast %parallel_loop3A_390 : f32 to vector<16xf32>
      %parallel_loop3A_392 = arith.addf %parallel_loop3A_389, %parallel_loop3A_391 : vector<16xf32>
      %parallel_loop3A_393 = arith.fptosi %parallel_loop3A_392 : vector<16xf32> to vector<16xi32>
      %parallel_loop3A_394 = arith.constant 1 : i32
      %parallel_loop3A_395 = arith.index_cast %parallel_loop3A_394 : i32 to index
      %parallel_loop3A_396 = arith.index_cast %parallel_loop3A_266 : i32 to index
      %parallel_loop3A_397 = arith.constant 48 : index
      %parallel_loop3A_398 = tpu.vector_load %arg8[%parallel_loop3A_395, %parallel_loop3A_396, %parallel_loop3A_397] {strides = array<i32>} : memref<2x128x64xi32, #tpu.memory_space<vmem>>, vector<1x1x16xi32>,
      %parallel_loop3A_399 = vector.shape_cast %parallel_loop3A_398 : vector<1x1x16xi32> to vector<16xi32>
      %parallel_loop3A_400 = vector.shape_cast %parallel_loop3A_393 : vector<16xi32> to vector<1x1x16xi32>
      tpu.vector_store %arg8[%parallel_loop3A_395, %parallel_loop3A_396, %parallel_loop3A_397], %parallel_loop3A_400 {strides = array<i32>} : memref<2x128x64xi32, #tpu.memory_space<vmem>>, vector<1x1x16xi32>,
      %parallel_loop3A_401 = vector.shape_cast %parallel_loop3A_393 : vector<16xi32> to vector<16x1xi32>
      %parallel_loop3A_402 = vector.shape_cast %parallel_loop3A_401 : vector<16x1xi32> to vector<16xi32>
      %parallel_loop3A_403 = tpu.dynamic_gather %get3A_34[%parallel_loop3A_402] in [0] : vector<16xf32>, vector<16xi32> -> vector<16xf32>
      %parallel_loop3A_404 = arith.constant 1 : i32
      %parallel_loop3A_405 = arith.index_cast %parallel_loop3A_404 : i32 to index
      %parallel_loop3A_406 = arith.index_cast %parallel_loop3A_266 : i32 to index
      %parallel_loop3A_407 = arith.constant 48 : index
      %parallel_loop3A_408 = tpu.vector_load %arg9[%parallel_loop3A_405, %parallel_loop3A_406, %parallel_loop3A_407] {strides = array<i32>} : memref<2x128x64xf32, #tpu.memory_space<vmem>>, vector<1x1x16xf32>,
      %parallel_loop3A_409 = vector.shape_cast %parallel_loop3A_408 : vector<1x1x16xf32> to vector<16xf32>
      %parallel_loop3A_410 = vector.shape_cast %parallel_loop3A_403 : vector<16xf32> to vector<1x1x16xf32>
      tpu.vector_store %arg9[%parallel_loop3A_405, %parallel_loop3A_406, %parallel_loop3A_407], %parallel_loop3A_410 {strides = array<i32>} : memref<2x128x64xf32, #tpu.memory_space<vmem>>, vector<1x1x16xf32>,
    } {sc.loop_unroll_factor = 1 : i64, sc.parallel_access}
    %add3A_154 = arith.constant 128 : i32
    %add3A_155 = arith.addi %mul3A_32, %add3A_154 : i32
    %dma_start3A_156 = arith.constant 1 : i32
    %dma_start3A_157 = arith.constant 1 : i32
    %dma_start3A_158 = arith.constant 0 : i32
    %dma_start3A_159 = arith.constant 0 : i32
    %dma_start3A_160 = tpu.memref_slice %arg8[%dma_start3A_156, %dma_start3A_158, %dma_start3A_159] : memref<2x128x64xi32, #tpu.memory_space<vmem>> -> memref<1x128x64xi32, #tpu.memory_space<vmem>>
    %dma_start3A_161 = tpu.memref_squeeze %dma_start3A_160 : memref<1x128x64xi32, #tpu.memory_space<vmem>> -> memref<128x64xi32, #tpu.memory_space<vmem>>
    %dma_start3A_162 = arith.constant 0 : i32
    %dma_start3A_163 = tpu.memref_slice %arg4[%select_n3A, %add3A_155, %dma_start3A_162] : memref<8x1024x64xi32, #tpu.memory_space<hbm>> -> memref<1x128x64xi32, #tpu.memory_space<hbm>>
    %dma_start3A_164 = tpu.memref_squeeze %dma_start3A_163 : memref<1x128x64xi32, #tpu.memory_space<hbm>> -> memref<128x64xi32, #tpu.memory_space<hbm>>
    %dma_start3A_165 = tpu.memref_slice %arg11[%dma_start3A_157] : memref<2x!tpu.dma_semaphore, #tpu.memory_space<semaphore_mem>> -> memref<1x!tpu.dma_semaphore, #tpu.memory_space<semaphore_mem>>
    %dma_start3A_166 = tpu.memref_squeeze %dma_start3A_165 : memref<1x!tpu.dma_semaphore, #tpu.memory_space<semaphore_mem>> -> memref<!tpu.dma_semaphore, #tpu.memory_space<semaphore_mem>>
    %dma_start3A_167 = arith.constant 0 : i32
    %dma_start3A_168 = tpu.memref_slice %arg4[%select_n3A, %add3A_155, %dma_start3A_167] : memref<8x1024x64xi32, #tpu.memory_space<hbm>> -> memref<1x128x64xi32, #tpu.memory_space<hbm>>
    %dma_start3A_169 = tpu.memref_squeeze %dma_start3A_168 : memref<1x128x64xi32, #tpu.memory_space<hbm>> -> memref<128x64xi32, #tpu.memory_space<hbm>>
    %dma_start3A_170 = arith.constant 0 : i32
    %dma_start3A_171 = arith.constant 0 : i32
    %dma_start3A_172 = tpu.memref_slice %arg8[%dma_start3A_156, %dma_start3A_170, %dma_start3A_171] : memref<2x128x64xi32, #tpu.memory_space<vmem>> -> memref<1x128x64xi32, #tpu.memory_space<vmem>>
    %dma_start3A_173 = tpu.memref_squeeze %dma_start3A_172 : memref<1x128x64xi32, #tpu.memory_space<vmem>> -> memref<128x64xi32, #tpu.memory_space<vmem>>
    tpu.enqueue_dma source(%dma_start3A_173 : memref<128x64xi32, #tpu.memory_space<vmem>>) target(%dma_start3A_169 : memref<128x64xi32, #tpu.memory_space<hbm>>) target_semaphore(%dma_start3A_166 : memref<!tpu.dma_semaphore, #tpu.memory_space<semaphore_mem>>)
    %add3A_174 = arith.constant 128 : i32
    %add3A_175 = arith.addi %mul3A_32, %add3A_174 : i32
    %dma_start3A_176 = arith.constant 1 : i32
    %dma_start3A_177 = arith.constant 1 : i32
    %dma_start3A_178 = arith.constant 0 : i32
    %dma_start3A_179 = arith.constant 0 : i32
    %dma_start3A_180 = tpu.memref_slice %arg9[%dma_start3A_176, %dma_start3A_178, %dma_start3A_179] : memref<2x128x64xf32, #tpu.memory_space<vmem>> -> memref<1x128x64xf32, #tpu.memory_space<vmem>>
    %dma_start3A_181 = tpu.memref_squeeze %dma_start3A_180 : memref<1x128x64xf32, #tpu.memory_space<vmem>> -> memref<128x64xf32, #tpu.memory_space<vmem>>
    %dma_start3A_182 = arith.constant 0 : i32
    %dma_start3A_183 = tpu.memref_slice %arg5[%select_n3A, %add3A_175, %dma_start3A_182] : memref<8x1024x64xf32, #tpu.memory_space<hbm>> -> memref<1x128x64xf32, #tpu.memory_space<hbm>>
    %dma_start3A_184 = tpu.memref_squeeze %dma_start3A_183 : memref<1x128x64xf32, #tpu.memory_space<hbm>> -> memref<128x64xf32, #tpu.memory_space<hbm>>
    %dma_start3A_185 = tpu.memref_slice %arg12[%dma_start3A_177] : memref<2x!tpu.dma_semaphore, #tpu.memory_space<semaphore_mem>> -> memref<1x!tpu.dma_semaphore, #tpu.memory_space<semaphore_mem>>
    %dma_start3A_186 = tpu.memref_squeeze %dma_start3A_185 : memref<1x!tpu.dma_semaphore, #tpu.memory_space<semaphore_mem>> -> memref<!tpu.dma_semaphore, #tpu.memory_space<semaphore_mem>>
    %dma_start3A_187 = arith.constant 0 : i32
    %dma_start3A_188 = tpu.memref_slice %arg5[%select_n3A, %add3A_175, %dma_start3A_187] : memref<8x1024x64xf32, #tpu.memory_space<hbm>> -> memref<1x128x64xf32, #tpu.memory_space<hbm>>
    %dma_start3A_189 = tpu.memref_squeeze %dma_start3A_188 : memref<1x128x64xf32, #tpu.memory_space<hbm>> -> memref<128x64xf32, #tpu.memory_space<hbm>>
    %dma_start3A_190 = arith.constant 0 : i32
    %dma_start3A_191 = arith.constant 0 : i32
    %dma_start3A_192 = tpu.memref_slice %arg9[%dma_start3A_176, %dma_start3A_190, %dma_start3A_191] : memref<2x128x64xf32, #tpu.memory_space<vmem>> -> memref<1x128x64xf32, #tpu.memory_space<vmem>>
    %dma_start3A_193 = tpu.memref_squeeze %dma_start3A_192 : memref<1x128x64xf32, #tpu.memory_space<vmem>> -> memref<128x64xf32, #tpu.memory_space<vmem>>
    tpu.enqueue_dma source(%dma_start3A_193 : memref<128x64xf32, #tpu.memory_space<vmem>>) target(%dma_start3A_189 : memref<128x64xf32, #tpu.memory_space<hbm>>) target_semaphore(%dma_start3A_186 : memref<!tpu.dma_semaphore, #tpu.memory_space<semaphore_mem>>)
    %dma_wait3A_194 = arith.constant 0 : i32
    %dma_wait3A_195 = arith.constant 0 : i32
    %dma_wait3A_196 = arith.constant 0 : i32
    %dma_wait3A_197 = arith.constant 0 : i32
    %dma_wait3A_198 = tpu.memref_slice %arg8[%dma_wait3A_194, %dma_wait3A_196, %dma_wait3A_197] : memref<2x128x64xi32, #tpu.memory_space<vmem>> -> memref<1x128x64xi32, #tpu.memory_space<vmem>>
    %dma_wait3A_199 = tpu.memref_squeeze %dma_wait3A_198 : memref<1x128x64xi32, #tpu.memory_space<vmem>> -> memref<128x64xi32, #tpu.memory_space<vmem>>
    %dma_wait3A_200 = arith.constant 0 : i32
    %dma_wait3A_201 = tpu.memref_slice %arg4[%select_n3A, %add3A_94, %dma_wait3A_200] : memref<8x1024x64xi32, #tpu.memory_space<hbm>> -> memref<1x128x64xi32, #tpu.memory_space<hbm>>
    %dma_wait3A_202 = tpu.memref_squeeze %dma_wait3A_201 : memref<1x128x64xi32, #tpu.memory_space<hbm>> -> memref<128x64xi32, #tpu.memory_space<hbm>>
    %dma_wait3A_203 = tpu.memref_slice %arg11[%dma_wait3A_195] : memref<2x!tpu.dma_semaphore, #tpu.memory_space<semaphore_mem>> -> memref<1x!tpu.dma_semaphore, #tpu.memory_space<semaphore_mem>>
    %dma_wait3A_204 = tpu.memref_squeeze %dma_wait3A_203 : memref<1x!tpu.dma_semaphore, #tpu.memory_space<semaphore_mem>> -> memref<!tpu.dma_semaphore, #tpu.memory_space<semaphore_mem>>
    %dma_wait3A_205 = arith.constant 0 : i32
    %dma_wait3A_206 = tpu.memref_slice %arg4[%select_n3A, %add3A_94, %dma_wait3A_205] : memref<8x1024x64xi32, #tpu.memory_space<hbm>> -> memref<1x128x64xi32, #tpu.memory_space<hbm>>
    %dma_wait3A_207 = tpu.memref_squeeze %dma_wait3A_206 : memref<1x128x64xi32, #tpu.memory_space<hbm>> -> memref<128x64xi32, #tpu.memory_space<hbm>>
    %dma_wait3A_208 = arith.constant 0 : i32
    %dma_wait3A_209 = arith.constant 0 : i32
    %dma_wait3A_210 = tpu.memref_slice %arg8[%dma_wait3A_194, %dma_wait3A_208, %dma_wait3A_209] : memref<2x128x64xi32, #tpu.memory_space<vmem>> -> memref<1x128x64xi32, #tpu.memory_space<vmem>>
    %dma_wait3A_211 = tpu.memref_squeeze %dma_wait3A_210 : memref<1x128x64xi32, #tpu.memory_space<vmem>> -> memref<128x64xi32, #tpu.memory_space<vmem>>
    tpu.wait_dma2 semaphore(%dma_wait3A_204 : memref<!tpu.dma_semaphore, #tpu.memory_space<semaphore_mem>>) src(%dma_wait3A_211 : memref<128x64xi32, #tpu.memory_space<vmem>>) dst(%dma_wait3A_207 : memref<128x64xi32, #tpu.memory_space<hbm>>)
    %dma_wait3A_212 = arith.constant 0 : i32
    %dma_wait3A_213 = arith.constant 0 : i32
    %dma_wait3A_214 = arith.constant 0 : i32
    %dma_wait3A_215 = arith.constant 0 : i32
    %dma_wait3A_216 = tpu.memref_slice %arg9[%dma_wait3A_212, %dma_wait3A_214, %dma_wait3A_215] : memref<2x128x64xf32, #tpu.memory_space<vmem>> -> memref<1x128x64xf32, #tpu.memory_space<vmem>>
    %dma_wait3A_217 = tpu.memref_squeeze %dma_wait3A_216 : memref<1x128x64xf32, #tpu.memory_space<vmem>> -> memref<128x64xf32, #tpu.memory_space<vmem>>
    %dma_wait3A_218 = arith.constant 0 : i32
    %dma_wait3A_219 = tpu.memref_slice %arg5[%select_n3A, %add3A_114, %dma_wait3A_218] : memref<8x1024x64xf32, #tpu.memory_space<hbm>> -> memref<1x128x64xf32, #tpu.memory_space<hbm>>
    %dma_wait3A_220 = tpu.memref_squeeze %dma_wait3A_219 : memref<1x128x64xf32, #tpu.memory_space<hbm>> -> memref<128x64xf32, #tpu.memory_space<hbm>>
    %dma_wait3A_221 = tpu.memref_slice %arg12[%dma_wait3A_213] : memref<2x!tpu.dma_semaphore, #tpu.memory_space<semaphore_mem>> -> memref<1x!tpu.dma_semaphore, #tpu.memory_space<semaphore_mem>>
    %dma_wait3A_222 = tpu.memref_squeeze %dma_wait3A_221 : memref<1x!tpu.dma_semaphore, #tpu.memory_space<semaphore_mem>> -> memref<!tpu.dma_semaphore, #tpu.memory_space<semaphore_mem>>
    %dma_wait3A_223 = arith.constant 0 : i32
    %dma_wait3A_224 = tpu.memref_slice %arg5[%select_n3A, %add3A_114, %dma_wait3A_223] : memref<8x1024x64xf32, #tpu.memory_space<hbm>> -> memref<1x128x64xf32, #tpu.memory_space<hbm>>
    %dma_wait3A_225 = tpu.memref_squeeze %dma_wait3A_224 : memref<1x128x64xf32, #tpu.memory_space<hbm>> -> memref<128x64xf32, #tpu.memory_space<hbm>>
    %dma_wait3A_226 = arith.constant 0 : i32
    %dma_wait3A_227 = arith.constant 0 : i32
    %dma_wait3A_228 = tpu.memref_slice %arg9[%dma_wait3A_212, %dma_wait3A_226, %dma_wait3A_227] : memref<2x128x64xf32, #tpu.memory_space<vmem>> -> memref<1x128x64xf32, #tpu.memory_space<vmem>>
    %dma_wait3A_229 = tpu.memref_squeeze %dma_wait3A_228 : memref<1x128x64xf32, #tpu.memory_space<vmem>> -> memref<128x64xf32, #tpu.memory_space<vmem>>
    tpu.wait_dma2 semaphore(%dma_wait3A_222 : memref<!tpu.dma_semaphore, #tpu.memory_space<semaphore_mem>>) src(%dma_wait3A_229 : memref<128x64xf32, #tpu.memory_space<vmem>>) dst(%dma_wait3A_225 : memref<128x64xf32, #tpu.memory_space<hbm>>)
    %dma_wait3A_230 = arith.constant 1 : i32
    %dma_wait3A_231 = arith.constant 1 : i32
    %dma_wait3A_232 = arith.constant 0 : i32
    %dma_wait3A_233 = arith.constant 0 : i32
    %dma_wait3A_234 = tpu.memref_slice %arg8[%dma_wait3A_230, %dma_wait3A_232, %dma_wait3A_233] : memref<2x128x64xi32, #tpu.memory_space<vmem>> -> memref<1x128x64xi32, #tpu.memory_space<vmem>>
    %dma_wait3A_235 = tpu.memref_squeeze %dma_wait3A_234 : memref<1x128x64xi32, #tpu.memory_space<vmem>> -> memref<128x64xi32, #tpu.memory_space<vmem>>
    %dma_wait3A_236 = arith.constant 0 : i32
    %dma_wait3A_237 = tpu.memref_slice %arg4[%select_n3A, %add3A_155, %dma_wait3A_236] : memref<8x1024x64xi32, #tpu.memory_space<hbm>> -> memref<1x128x64xi32, #tpu.memory_space<hbm>>
    %dma_wait3A_238 = tpu.memref_squeeze %dma_wait3A_237 : memref<1x128x64xi32, #tpu.memory_space<hbm>> -> memref<128x64xi32, #tpu.memory_space<hbm>>
    %dma_wait3A_239 = tpu.memref_slice %arg11[%dma_wait3A_231] : memref<2x!tpu.dma_semaphore, #tpu.memory_space<semaphore_mem>> -> memref<1x!tpu.dma_semaphore, #tpu.memory_space<semaphore_mem>>
    %dma_wait3A_240 = tpu.memref_squeeze %dma_wait3A_239 : memref<1x!tpu.dma_semaphore, #tpu.memory_space<semaphore_mem>> -> memref<!tpu.dma_semaphore, #tpu.memory_space<semaphore_mem>>
    %dma_wait3A_241 = arith.constant 0 : i32
    %dma_wait3A_242 = tpu.memref_slice %arg4[%select_n3A, %add3A_155, %dma_wait3A_241] : memref<8x1024x64xi32, #tpu.memory_space<hbm>> -> memref<1x128x64xi32, #tpu.memory_space<hbm>>
    %dma_wait3A_243 = tpu.memref_squeeze %dma_wait3A_242 : memref<1x128x64xi32, #tpu.memory_space<hbm>> -> memref<128x64xi32, #tpu.memory_space<hbm>>
    %dma_wait3A_244 = arith.constant 0 : i32
    %dma_wait3A_245 = arith.constant 0 : i32
    %dma_wait3A_246 = tpu.memref_slice %arg8[%dma_wait3A_230, %dma_wait3A_244, %dma_wait3A_245] : memref<2x128x64xi32, #tpu.memory_space<vmem>> -> memref<1x128x64xi32, #tpu.memory_space<vmem>>
    %dma_wait3A_247 = tpu.memref_squeeze %dma_wait3A_246 : memref<1x128x64xi32, #tpu.memory_space<vmem>> -> memref<128x64xi32, #tpu.memory_space<vmem>>
    tpu.wait_dma2 semaphore(%dma_wait3A_240 : memref<!tpu.dma_semaphore, #tpu.memory_space<semaphore_mem>>) src(%dma_wait3A_247 : memref<128x64xi32, #tpu.memory_space<vmem>>) dst(%dma_wait3A_243 : memref<128x64xi32, #tpu.memory_space<hbm>>)
    %dma_wait3A_248 = arith.constant 1 : i32
    %dma_wait3A_249 = arith.constant 1 : i32
    %dma_wait3A_250 = arith.constant 0 : i32
    %dma_wait3A_251 = arith.constant 0 : i32
    %dma_wait3A_252 = tpu.memref_slice %arg9[%dma_wait3A_248, %dma_wait3A_250, %dma_wait3A_251] : memref<2x128x64xf32, #tpu.memory_space<vmem>> -> memref<1x128x64xf32, #tpu.memory_space<vmem>>
    %dma_wait3A_253 = tpu.memref_squeeze %dma_wait3A_252 : memref<1x128x64xf32, #tpu.memory_space<vmem>> -> memref<128x64xf32, #tpu.memory_space<vmem>>
    %dma_wait3A_254 = arith.constant 0 : i32
    %dma_wait3A_255 = tpu.memref_slice %arg5[%select_n3A, %add3A_175, %dma_wait3A_254] : memref<8x1024x64xf32, #tpu.memory_space<hbm>> -> memref<1x128x64xf32, #tpu.memory_space<hbm>>
    %dma_wait3A_256 = tpu.memref_squeeze %dma_wait3A_255 : memref<1x128x64xf32, #tpu.memory_space<hbm>> -> memref<128x64xf32, #tpu.memory_space<hbm>>
    %dma_wait3A_257 = tpu.memref_slice %arg12[%dma_wait3A_249] : memref<2x!tpu.dma_semaphore, #tpu.memory_space<semaphore_mem>> -> memref<1x!tpu.dma_semaphore, #tpu.memory_space<semaphore_mem>>
    %dma_wait3A_258 = tpu.memref_squeeze %dma_wait3A_257 : memref<1x!tpu.dma_semaphore, #tpu.memory_space<semaphore_mem>> -> memref<!tpu.dma_semaphore, #tpu.memory_space<semaphore_mem>>
    %dma_wait3A_259 = arith.constant 0 : i32
    %dma_wait3A_260 = tpu.memref_slice %arg5[%select_n3A, %add3A_175, %dma_wait3A_259] : memref<8x1024x64xf32, #tpu.memory_space<hbm>> -> memref<1x128x64xf32, #tpu.memory_space<hbm>>
    %dma_wait3A_261 = tpu.memref_squeeze %dma_wait3A_260 : memref<1x128x64xf32, #tpu.memory_space<hbm>> -> memref<128x64xf32, #tpu.memory_space<hbm>>
    %dma_wait3A_262 = arith.constant 0 : i32
    %dma_wait3A_263 = arith.constant 0 : i32
    %dma_wait3A_264 = tpu.memref_slice %arg9[%dma_wait3A_248, %dma_wait3A_262, %dma_wait3A_263] : memref<2x128x64xf32, #tpu.memory_space<vmem>> -> memref<1x128x64xf32, #tpu.memory_space<vmem>>
    %dma_wait3A_265 = tpu.memref_squeeze %dma_wait3A_264 : memref<1x128x64xf32, #tpu.memory_space<vmem>> -> memref<128x64xf32, #tpu.memory_space<vmem>>
    tpu.wait_dma2 semaphore(%dma_wait3A_258 : memref<!tpu.dma_semaphore, #tpu.memory_space<semaphore_mem>>) src(%dma_wait3A_265 : memref<128x64xf32, #tpu.memory_space<vmem>>) dst(%dma_wait3A_261 : memref<128x64xf32, #tpu.memory_space<hbm>>)
    return
  }
}

</mosaic_0001>

<sc_bundles>
// kernel: kernel.3.cloned.1.call-start
scs
__scs_entry_jumppad:
0x0: {  	(pc) =	sbr.rel $0x88, $3  }
0x1: {  	(tag) =	ssettag $0x0;
	lr =	simm.s32 $0x1  }
0x2: {  	[smem:$0x3FA0] =	sst lr;
	_ =	strace $0xD0000000  }
0x3: {  	_ = 	snop  }
0x4: {  	_ = 	snop  }
0x5: {  	_ = 	snop  }
0x6: {  	_ = 	snop  }
0x7: {  	_ = 	snop  }
__scs_overlays_trampoline_lowered:
0x8: {  	[smem:$0x3FAF] =	sst s0  }
0x9: {  	[smem:$0x3FB0] =	sst s1  }
0xa: {  	[smem:$0x3FB1] =	sst s2  }
0xb: {  	[smem:$0x3FB2] =	sst s3  }
0xc: {  	[smem:$0x3FB3] =	sst s4  }
0xd: {  	[smem:$0x3FB4] =	sst s5  }
0xe: {  	[smem:$0x3FB5] =	sst s6  }
0xf: {  	[smem:$0x3FB6] =	sst s7  }
0x10: {  	[smem:$0x3FB7] =	sst s8  }
0x11: {  	[smem:$0x3FB8] =	sst s9;
	s0 =	simm.s32 @!p0 $0x0  }
0x12: {  	s1 =	sld [smem:$0x3F9E];
	s0 =	simm.s32 @p0 $0x1  }
0x13: {  	[smem:$0x3FB9] =	sst s0;
	s0 =	simm.s32 @!p1 $0x0  }
0x14: {  	s2 =	sld [smem:$0x3F9D];
	s0 =	simm.s32 @p1 $0x1  }
0x15: {  	[smem:$0x3FBA] =	sst s0;
	s0 =	simm.s32 @!p2 $0x0  }
0x16: {  	s3 =	sld [smem:$0x3FDB];
	s0 =	simm.s32 @p2 $0x1  }
0x17: {  	s4 =	simm.s32 $0x1BF5;
	[smem:$0x3FBC] =	sst s0  }
0x18: {  	s0 =	sld [smem:$0x3F9F];
	_ =	swait.ge [sflag:s4], $0x0  }
0x19: {  	s7 =	sld [smem:$0x3FA0]  }
0x1a: {  	s8 =	sadd.s32 $0xFFFFE003, lr  }
0x1b: {  	s9 =	sadd.s32 $0xFFFFFEF7, lr;
	s5 =	simm.s32 $0xFFFFFFFF;
	p2 =	slt.u32 s8, $0xFFFFF086  }
0x1c: {  	p1 =	slt.u32 s9, $0xF7A;
	s5 =	simm.s32 @!p2 $0x0  }
0x1d: {  	s5 =	simm.s32 @p1 $0x1;
	p0 =	seq.s32 s7, s2  }
0x1e: {  	s7 =	smul.u32 @!p0 $0xF7A, s2;
	p2 =	seq.s32 @!p0 s5, $0x0  }
0x1f: {  	s9 =	smul.u32 $0xF7A, s1;
	s8 =	simm.s32 @!p0 $0x1BF5;
	p2 =	por !p2, p0  }
0x20: {  	[sflag:s8] =	ssyncset.s32 @!p0 $0xFFFFF086;
	s6 =	sadd.s32 @!p0 s3, s7;
	s7 =	simm.s32 @!p0 $0x108  }
0x21: {  	s3 =	sadd.s32 s3, s9;
	s6 =	sadd.s32 @!p0 $0x88, s6;
	s7 =	simm.s32 @p2 $0x1082  }
0x22: {  	[simem:s7], [sflag:s8] =	dma.local @!p0 [hbm:s6], $0xF7A  }
0x23: {  	s9 =	sor.u32 $0xD0000000, s2;
	s6 =	simm.s32 $0x108;
	_ =	swait.ge @!p0 [sflag:s8], $0x0  }
0x24: {  	s3 =	sadd.s32 $0x88, s3;
	s6 =	simm.s32 @!p1 $0x1082;
	[sflag:s4] =	ssyncset.s32 $0xFFFFF086  }
0x25: {  	[simem:s6], [sflag:s4] =	dma.local [hbm:s3], $0xF7A  }
0x26: {  	[smem:$0x3FA0] =	sst s1;
	(tag) =	ssettag s2;
	_ =	strace s9  }
0x27: {  	s1 =	sld [smem:$0x3FB0]  }
0x28: {  	s2 =	sld [smem:$0x3FB1]  }
0x29: {  	s4 =	sld [smem:$0x3FB3]  }
0x2a: {  	p0 =	seq.s32 s5, $0x0;
	s5 =	sld [smem:$0x3FB4]  }
0x2b: {  	s6 =	sld [smem:$0x3FB5]  }
0x2c: {  	s7 =	sld [smem:$0x3FB6]  }
0x2d: {  	s3 =	simm.s32 $0x108;
	s8 =	sld [smem:$0x3FB7]  }
0x2e: {  	s3 =	simm.s32 @!p0 $0x1082;
	s9 =	sld [smem:$0x3FB8]  }
0x2f: {  	lr =	sadd.s32 s0, s3;
	s0 =	sld [smem:$0x3FAF]  }
0x30: {  	s3 =	sld [smem:$0x3FB2]  }
0x31: {  	[smem:$0x3FBB] =	sst s10  }
0x32: {  	s10 =	sld [smem:$0x3FB9];
	_ =	sdelay $0x3  }
0x33: {  	p0 =	seq.s32 s10, $0x1;
	s10 =	sld [smem:$0x3FBB];
	_ =	sdelay $0x3  }
0x34: {  	[smem:$0x3FBB] =	sst s10  }
0x35: {  	s10 =	sld [smem:$0x3FBA];
	_ =	sdelay $0x3  }
0x36: {  	p1 =	seq.s32 s10, $0x1;
	s10 =	sld [smem:$0x3FBB];
	_ =	sdelay $0x3  }
0x37: {  	[smem:$0x3FBB] =	sst s10  }
0x38: {  	s10 =	sld [smem:$0x3FBC]  }
0x39: {  	_ = 	snop;
	(pc) =	sbr.ind lr, $3  }
0x3a: {  	_ = 	snop  }
0x3b: {  	_ = 	snop  }
0x3c: {  	p2 =	seq.s32 s10, $0x1;
	s10 =	sld [smem:$0x3FBB]  }
0x3d: {  	_ =	shalt  }
0x3e: {  	_ =	shalt  }
0x3f: {  	_ =	shalt  }
0x40: {  	_ =	shalt  }
0x41: {  	_ =	shalt  }
0x42: {  	_ =	shalt  }
0x43: {  	_ =	shalt  }
0x44: {  	_ =	shalt  }
0x45: {  	_ =	shalt  }
0x46: {  	_ =	shalt  }
0x47: {  	_ =	shalt  }
0x48: {  	_ =	shalt  }
0x49: {  	_ =	shalt  }
0x4a: {  	_ =	shalt  }
0x4b: {  	_ =	shalt  }
0x4c: {  	_ =	shalt  }
0x4d: {  	_ =	shalt  }
0x4e: {  	_ =	shalt  }
0x4f: {  	_ =	shalt  }
0x50: {  	_ =	shalt  }
0x51: {  	_ =	shalt  }
0x52: {  	_ =	shalt  }
0x53: {  	_ =	shalt  }
0x54: {  	_ =	shalt  }
0x55: {  	_ =	shalt  }
0x56: {  	_ =	shalt  }
0x57: {  	_ =	shalt  }
0x58: {  	_ =	shalt  }
0x59: {  	_ =	shalt  }
0x5a: {  	_ =	shalt  }
0x5b: {  	_ =	shalt  }
0x5c: {  	_ =	shalt  }
0x5d: {  	_ =	shalt  }
0x5e: {  	_ =	shalt  }
0x5f: {  	_ =	shalt  }
0x60: {  	_ =	shalt  }
0x61: {  	_ =	shalt  }
0x62: {  	_ =	shalt  }
0x63: {  	_ =	shalt  }
0x64: {  	_ =	shalt  }
0x65: {  	_ =	shalt  }
0x66: {  	_ =	shalt  }
0x67: {  	_ =	shalt  }
0x68: {  	_ =	shalt  }
0x69: {  	_ =	shalt  }
0x6a: {  	_ =	shalt  }
0x6b: {  	_ =	shalt  }
0x6c: {  	_ =	shalt  }
0x6d: {  	_ =	shalt  }
0x6e: {  	_ =	shalt  }
0x6f: {  	_ =	shalt  }
0x70: {  	_ =	shalt  }
0x71: {  	_ =	shalt  }
0x72: {  	_ =	shalt  }
0x73: {  	_ =	shalt  }
0x74: {  	_ =	shalt  }
0x75: {  	_ =	shalt  }
0x76: {  	_ =	shalt  }
0x77: {  	_ =	shalt  }
0x78: {  	_ =	shalt  }
0x79: {  	_ =	shalt  }
0x7a: {  	_ =	shalt  }
0x7b: {  	_ =	shalt  }
0x7c: {  	_ =	shalt  }
0x7d: {  	_ =	shalt  }
0x7e: {  	_ =	shalt  }
0x7f: {  	_ =	shalt  }
0x80: {  	_ =	shalt  }
0x81: {  	_ =	shalt  }
0x82: {  	_ =	shalt  }
0x83: {  	_ =	shalt  }
0x84: {  	_ =	shalt  }
0x85: {  	_ =	shalt  }
0x86: {  	_ =	shalt  }
0x87: {  	_ =	shalt  }
.Lfunc_end0:
.L_simem_size_0:
called_computation_lowered:
.L_overlay_start_0:
0x88: {  	s2 =	sld [smem:$0x3FD9]  }
0x89: {  	s3 =	sld [smem:$0x3FFE];
	_ =	sdelay $0x1  }
0x8a: {  	s1 =	srdreg.scid  }
0x8b: {  	s0 =	sand.u32 $0x1, s1  }
0x8c: {  	s14 =	sshll.u32 s0, $0xA;
	s2 =	sadd.s32 s3, s2  }
0x8d: {  	s2 =	sadd.s32 s2, s14  }
0x8e: {  	[smem:$0x3FC7] =	sst s2  }
0x8f: {  	_ = 	snop  }
0x90: {  	s2 =	sld [smem:$0x3FD0];
	_ =	sdelay $0x2  }
0x91: {  	s15 =	simm.s32 $0xA;
	s4 =	simm.s32 $0x10  }
0x92: {  	[smem:s4], [sflag:s15] =	dma.local [hbm:s2], $0x1  }
0x93: {  	_ =	swait.eq [sflag:s15], $0x1  }
0x94: {  	[sflag:s15] =	ssyncset.done $0x0  }
0x95: {  	[sflag:s15] =	ssyncadd.s32 $0xFFFFFFFF  }
0x96: {  	s16 =	sld [smem:$0x11];
	(tm) =	ssettm $0x1  }
0x97: {  	s17 =	sld [smem:$0x3FFB];
	_ =	sdelay $0x3  }
0x98: {  	_ =	strace s17  }
0x99: {  	s3 =	sld [smem:$0x3FFC];
	_ =	sdelay $0x3  }
0x9a: {  	_ =	strace s3  }
0x9b: {  	s3 =	sld [smem:$0x3FFD];
	_ =	sdelay $0x3  }
0x9c: {  	_ =	strace s3  }
0x9d: {  	_ =	strace $0x8FFFFFFF  }
0x9e: {  	s18 =	sld [smem:$0x3FDB];
	_ =	sdelay $0x1  }
0x9f: {  	s19 =	simm.s32 $_scs_section_size  }
0xa0: {  	s5 =	simm.s32 $_size__tile_overlayer_lowered;
	s6 =	simm.s32 $_tile_overlayer_lowered  }
0xa1: {  	s22 =	simm.s32 $0x1BFF;
	s21 =	sshll.u32 s6, $0x1;
	s3 =	sadd.s32 s19, s18  }
0xa2: {  	s7 =	simm.s32 $0x0;
	s20 =	sshll.u32 s5, $0x1;
	s5 =	sadd.s32 s21, s3  }
0xa3: {  	[timem:s7], [sflag:s22] =	dma.local [hbm:s5], s20  }
0xa4: {  	_ =	swait.ge [sflag:s22], s20  }
0xa5: {  	s4 =	ssub.s32 $0x0, s20;
	[sflag:s22] =	ssyncset.done $0x0  }
0xa6: {  	[sflag:s22] =	ssyncadd.s32 s4;
	_ =	sdelay $0x1  }
0xa7: {  	s23 =	simm.s32 $0x1B8B  }
0xa8: {  	_ =	swait.ge [sflag:s23], $0x1  }
0xa9: {  	[sflag:s23] =	ssyncset.done $0x0  }
0xaa: {  	s25 =	simm.s32 $0x1B8E;
	s24 =	sld [smem:$0x3FFE];
	[sflag:s23] =	ssyncadd.s32 $0xFFFFFFFF  }
0xab: {  	s26 =	simm.s32 $execute0_lowered;
	[smem:$0x3FD2] =	sst s25  }
0xac: {  	s5 =	sshll.u32 s26, $0x1;
	_ =	strace $0x80000046;
	[dreg:$0x1] =	wrdreg $0xFFFFFFFF  }
0xad: {  	s28 =	simm.s32 $_size_execute0_lowered;
	s3 =	sadd.s32 s3, s5;
	[dreg:$0x0] =	wrdreg $0x0  }
0xae: {  	s5 =	sshll.u32 s28, $0x1;
	[dreg:$0x2] =	wrdreg s3  }
0xaf: {  	[dreg:$0x3] =	wrdreg s5  }
0xb0: {  	[dreg:$0x4] =	wrdreg $0xC0  }
0xb1: {  	_ =	task [dreg:s7], $0x5FFFF  }
0xb2: {  	[dreg:$0x1] =	wrdreg $0xFFFFFFFF  }
0xb3: {  	[dreg:$0x0] =	wrdreg $0x60  }
0xb4: {  	[dreg:$0x2] =	wrdreg s24  }
0xb5: {  	[dreg:$0x3] =	wrdreg s16  }
0xb6: {  	[dreg:$0x4] =	wrdreg $0x9  }
0xb7: {  	_ =	task.clear_ibuf [dreg:s7], $0x5FFFF;
	_ =	strace $0x90000046  }
0xb8: {  	s29 =	simm.s32 $0x9;
	_ =	strace $0x80000048  }
0xb9: {  	_ =	swait.ge [sflag:s29], $0x1  }
0xba: {  	[sflag:s29] =	ssyncadd.s32 $0xFFFFFFFF  }
0xbb: {  	_ =	strace $0x90000048  }
0xbc: {  	_ =	sfence  }
0xbd: {  	s30 =	sld [smem:$0x0];
	_ =	sdelay $0x2  }
0xbe: {  	s31 =	sshll.u32 s1, $0xD;
	s1 =	sshrl.u32 s1, $0x2  }
0xbf: {  	s3 =	sand.u32 $0x4000, s31;
	s1 =	sadd.s32 s1, s30  }
0xc0: {  	s0 =	sor.u32 s3, s0;
	s1 =	sshll.u32 s1, $0x11  }
0xc1: {  	s0 =	sor.u32 s1, s0  }
0xc2: {  	s0 =	sadd.s32 $0x8F2B, s0  }
0xc3: {  	[sflag:s0] =	ssyncadd.remote.s32 $0x1  }
0xc4: {  	_ =	sfence.sel $0xFFFF  }
0xc5: {  	[dreg:$0x0] =	wrdreg $0xFFFFFFFF;
	(pc) =	sbr.abs _section_cstart, $3  }
0xc6: {  	[dreg:$0x1] =	wrdreg $0xFFFFFFFF  }
0xc7: {  	_ =	task.clear_ibuf [dreg:s7], $0x2FFFF;
	_ =	strace $0x9FFFFFFF  }
0xc8: {  	(tm) =	ssettm $0x7FFFFFFF  }
0xc9: {  	_ =	shalt  }
tec
execute0_lowered:
.L_overlay_start_1:
0x0: {  	(tag) =	ssettag $0x1  }
0x1: {  	s4 =	rddreg [dreg:$0x0]  }
0x2: {  	s2 =	rddreg [dreg:$0x1]  }
0x3: {  	s0 =	rddreg [dreg:$0x2];
	s3 =	simm.s32 $0x0;
	s1 =	stileid.u32  }
0x4: {  	s5 =	srdreg.scid;
	s13 =	simm.s32 $0x4080;
	s14 =	simm.s32 $0x1  }
0x5: {  	s15 =	simm.s32 $0x8080;
	s16 =	simm.s32 $0x10080;
	s17 =	simm.s32 $0x2  }
0x6: {  	s18 =	simm.s32 $0xC080;
	s19 =	simm.s32 $0x14080;
	s20 =	simm.s32 $0x3  }
0x7: {  	s21 =	simm.s32 $0x5;
	s22 =	simm.s32 $0x4;
	s23 =	simm.s32 $0x6  }
0x8: {  	s24 =	simm.s32 $0x0;
	[smem:$0x7FF] =	sst s3;
	s6 =	sshll.u32 s1, $0x1  }
0x9: {  	s5 =	sand.u32 $0x1, s5;
	s7 =	sadd.s32 $0xC00, s4;
	s6 =	sand.u32 $0x2, s6  }
0xa: {  	s8 =	sshll.u32 s1, $0xD;
	s9 =	sadd.s32 $0x20C00, s4;
	s6 =	sor.u32 s5, s6  }
0xb: {  	s8 =	sand.u32 $0x1C000, s8;
	s5 =	ssub.s32 $0x2, s5;
	s6 =	sshll.u32 s6, $0xC  }
0xc: {  	s11 =	sadd.s32 $0x40C00, s4;
	s10 =	sshrl.u32 s5, $0x1;
	s8 =	sor.u32 s8, s6  }
0xd: {  	_ =	strace $0x80000047;
	s10 =	ssub.s32 s5, s10;
	s12 =	sor.u32 $0x800, s8  }
0xe: {  	s4 =	sadd.s32 s7, s8;
	s6 =	sadd.s32 s9, s8;
	s10 =	smax.u32 s10, $0x1  }
0xf: {  	s5 =	sadd.s32 s7, s12;
	s7 =	sadd.s32 s11, s8;
	s8 =	sadd.s32 s9, s12  }
0x10: {  	s9 =	sadd.s32 s11, s12;
	s11 =	simm.s32 $0x7;
	s12 =	simm.s32 $0x80  }
.LBB2_1:
0x11: {  	[tilespmem:s3], [sflag:$0x7] =	stream.linear.gather [hbm4b:s2+s3], $0x80, $0x38;
	[tilespmem:$0x18080] =	vst v63  }
0x12: {  	_ =	swait.ge [sflag:s11], $0x80  }
0x13: {  	[sflag:s11] =	ssyncset.done $0x0  }
0x14: {  	[sflag:s11] =	ssyncadd.s32 $0xFFFFFF80  }
0x15: {  	v0 =	vld [tilespmem:$0x0];
	[tilespmem:s12], [sflag:$0x1] =	stream.linear.gather [hbm4b:s4+s3], $0x4000, $0x38  }
0x16: {  	_ = 	snop  }
0x17: {  	[tilespmem:s13], [sflag:$0x2] =	stream.linear.gather [hbm4b:s5+s3], $0x4000, $0x38;
	[tilespmem:$0x18080] =	vst v63  }
0x18: {  	_ =	swait.ge [sflag:s14], $0x4000  }
0x19: {  	[sflag:s14] =	ssyncset.done $0x0  }
0x1a: {  	s26 =	simm.s32 $0x0;
	[sflag:s14] =	ssyncadd.s32 $0xFFFFC000  }
0x1b: {  	v1 =	vld [tilespmem:s26+$0xB0]  }
0x1c: {  	v2 =	vld [tilespmem:s26+$0x80]  }
0x1d: {  	v3 =	vld [tilespmem:s26+$0x90];
	_ =	sdelay $0x1  }
0x1e: {  	v4 =	vld [tilespmem:s26+$0xA0]  }
0x1f: {  	v1 =	vmax.f32 v1, $-1.000000000e+00  }
0x20: {  	v2 =	vmax.f32 v2, $-1.000000000e+00;
	v1 =	vmin.f32 v1, $1.000000000e+00  }
0x21: {  	v3 =	vmax.f32 v3, $-1.000000000e+00;
	v2 =	vmin.f32 v2, $1.000000000e+00;
	v1 =	vmul.f32 $7.500000000e+00, v1  }
0x22: {  	s25 =	simm.s32 $0x80;
	v3 =	vmin.f32 v3, $1.000000000e+00;
	v2 =	vmul.f32 $7.500000000e+00, v2  }
0x23: {  	v5 =	vld [tilespmem:s25+$0xB0];
	v4 =	vmax.f32 v4, $-1.000000000e+00;
	v3 =	vmul.f32 $7.500000000e+00, v3;
	v1 =	vadd.f32 $8.000000000e+00, v1  }
0x24: {  	v4 =	vmin.f32 v4, $1.000000000e+00;
	v2 =	vadd.f32 $8.000000000e+00, v2  }
0x25: {  	v6 =	vld [tilespmem:s25+$0x80];
	v4 =	vmul.f32 $7.500000000e+00, v4;
	v3 =	vadd.f32 $8.000000000e+00, v3;
	v1 =	vtrunc.f32 v1  }
0x26: {  	v7 =	vld [tilespmem:s25+$0x90];
	v2 =	vtrunc.f32 v2;
	v1 =	vcvt.f32.s32 v1  }
0x27: {  	v8 =	vld [tilespmem:s25+$0xA0];
	v4 =	vadd.f32 $8.000000000e+00, v4;
	v9 =	vcvt.f32.s32 v2;
	v2 =	vtrunc.f32 v3  }
0x28: {  	v5 =	vmax.f32 v5, $-1.000000000e+00;
	v2 =	vcvt.f32.s32 v2;
	[tilespmem:s26+$0x80B0] =	vst v1  }
0x29: {  	v5 =	vmin.f32 v5, $1.000000000e+00;
	v3 =	vtrunc.f32 v4;
	v4 =	vperm.xlane v0, v1;
	[tilespmem:s26+$0x8080] =	vst v9  }
0x2a: {  	v1 =	vcvt.f32.s32 v3;
	v3 =	vmax.f32 v6, $-1.000000000e+00;
	v6 =	vperm.xlane v0, v9;
	[tilespmem:s26+$0x8090] =	vst v2  }
0x2b: {  	v5 =	vmul.f32 $7.500000000e+00, v5;
	v3 =	vmin.f32 v3, $1.000000000e+00;
	[tilespmem:s26+$0x100B0] =	vst v4;
	v4 =	vmax.f32 v7, $-1.000000000e+00  }
0x2c: {  	v3 =	vmul.f32 $7.500000000e+00, v3;
	v7 =	vmax.f32 v8, $-1.000000000e+00;
	[tilespmem:s26+$0x10080] =	vst v6;
	v4 =	vmin.f32 v4, $1.000000000e+00  }
0x2d: {  	s28 =	simm.s32 $0x100;
	s29 =	simm.s32 $0x600;
	v5 =	vadd.f32 $8.000000000e+00, v5;
	[tilespmem:s26+$0x80A0] =	vst v1;
	v6 =	vmin.f32 v7, $1.000000000e+00;
	v4 =	vmul.f32 $7.500000000e+00, v4  }
.LBB2_2:
0x2e: {  	p0 =	sne.s32 s29, $0xFE00;
	v7 =	vld [tilespmem:s28+$0xB0];
	v3 =	vadd.f32 $8.000000000e+00, v3;
	v6 =	vmul.f32 $7.500000000e+00, v6;
	v2 =	vperm.xlane v0, v2  }
0x2f: {  	v1 =	vperm.xlane v0, v1;
	v8 =	vld [tilespmem:s28+$0x80];
	v4 =	vadd.f32 $8.000000000e+00, v4;
	v5 =	vtrunc.f32 v5  }
0x30: {  	v9 =	vld [tilespmem:s28+$0x90];
	v3 =	vtrunc.f32 v3;
	v6 =	vadd.f32 $8.000000000e+00, v6;
	v5 =	vcvt.f32.s32 v5;
	[tilespmem:s26+$0x10090] =	vst v2  }
0x31: {  	v10 =	vld [tilespmem:s28+$0xA0];
	v3 =	vcvt.f32.s32 v3;
	v2 =	vtrunc.f32 v4;
	[tilespmem:s26+$0x100A0] =	vst v1;
	s26 =	smov.u32 s25;
	s25 =	smov.u32 s28  }
0x32: {  	v1 =	vtrunc.f32 v6;
	[tilespmem:s26+$0x80B0] =	vst v5;
	v4 =	vperm.xlane v0, v5  }
.Ltmp0:
0x33: {  	v2 =	vcvt.f32.s32 v2;
	v5 =	vmax.f32 v7, $-1.000000000e+00;
	[tilespmem:s26+$0x8080] =	vst v3;
	v1 =	vcvt.f32.s32 v1;
	(pc) =	sbr.rel @p0 .LBB2_2-.Ltmp0, $4  }
0x34: {  	v7 =	vperm.xlane v0, v3;
	v6 =	vmax.f32 v8, $-1.000000000e+00;
	v5 =	vmin.f32 v5, $1.000000000e+00;
	[tilespmem:s26+$0x100B0] =	vst v4  }
0x35: {  	v3 =	vmin.f32 v6, $1.000000000e+00;
	v4 =	vmax.f32 v9, $-1.000000000e+00;
	v5 =	vmul.f32 $7.500000000e+00, v5;
	[tilespmem:s26+$0x8090] =	vst v2  }
0x36: {  	v3 =	vmul.f32 $7.500000000e+00, v3;
	v4 =	vmin.f32 v4, $1.000000000e+00;
	v6 =	vmax.f32 v10, $-1.000000000e+00;
	[tilespmem:s26+$0x10080] =	vst v7  }
0x37: {  	s28 =	sshra.s32 s29, $0x2;
	s29 =	sadd.s32 $0x200, s29;
	v4 =	vmul.f32 $7.500000000e+00, v4;
	v6 =	vmin.f32 v6, $1.000000000e+00;
	v5 =	vadd.f32 $8.000000000e+00, v5;
	[tilespmem:s26+$0x80A0] =	vst v1  }
0x38: {  	v7 =	vld [tilespmem:s28+$0xB0];
	v3 =	vadd.f32 $8.000000000e+00, v3;
	v6 =	vmul.f32 $7.500000000e+00, v6;
	v2 =	vperm.xlane v0, v2  }
0x39: {  	v8 =	vld [tilespmem:s28+$0x80];
	v1 =	vperm.xlane v0, v1;
	v4 =	vadd.f32 $8.000000000e+00, v4;
	v5 =	vtrunc.f32 v5  }
0x3a: {  	v9 =	vld [tilespmem:s28+$0x90];
	v3 =	vtrunc.f32 v3;
	v6 =	vadd.f32 $8.000000000e+00, v6;
	v5 =	vcvt.f32.s32 v5  }
0x3b: {  	v10 =	vld [tilespmem:s28+$0xA0];
	v3 =	vcvt.f32.s32 v3;
	v4 =	vtrunc.f32 v4  }
0x3c: {  	[tilespmem:s26+$0x10090] =	vst v2;
	v2 =	vtrunc.f32 v6;
	v6 =	vperm.xlane v0, v5  }
0x3d: {  	[tilespmem:s26+$0x100A0] =	vst v1;
	v4 =	vcvt.f32.s32 v4;
	v1 =	vmax.f32 v7, $-1.000000000e+00;
	v2 =	vcvt.f32.s32 v2  }
0x3e: {  	[tilespmem:s25+$0x80B0] =	vst v5;
	v5 =	vmax.f32 v8, $-1.000000000e+00;
	v7 =	vperm.xlane v0, v3;
	v1 =	vmin.f32 v1, $1.000000000e+00  }
0x3f: {  	[tilespmem:s25+$0x8080] =	vst v3;
	v3 =	vmin.f32 v5, $1.000000000e+00;
	v5 =	vmax.f32 v9, $-1.000000000e+00;
	v1 =	vmul.f32 $7.500000000e+00, v1  }
0x40: {  	[tilespmem:s25+$0x100B0] =	vst v6;
	v6 =	vmax.f32 v10, $-1.000000000e+00;
	v3 =	vmul.f32 $7.500000000e+00, v3;
	v5 =	vmin.f32 v5, $1.000000000e+00  }
0x41: {  	[tilespmem:s25+$0x8090] =	vst v4;
	v4 =	vperm.xlane v0, v4;
	v5 =	vmul.f32 $7.500000000e+00, v5;
	v1 =	vadd.f32 $8.000000000e+00, v1  }
0x42: {  	v6 =	vmin.f32 v6, $1.000000000e+00;
	[tilespmem:s25+$0x80A0] =	vst v2;
	v2 =	vperm.xlane v0, v2;
	v3 =	vadd.f32 $8.000000000e+00, v3  }
0x43: {  	[tilespmem:s25+$0x10080] =	vst v7;
	v6 =	vmul.f32 $7.500000000e+00, v6;
	v5 =	vadd.f32 $8.000000000e+00, v5;
	v1 =	vtrunc.f32 v1  }
0x44: {  	[tilespmem:s25+$0x10090] =	vst v4;
	v3 =	vtrunc.f32 v3;
	v1 =	vcvt.f32.s32 v1  }
0x45: {  	[tilespmem:s25+$0x100A0] =	vst v2;
	v3 =	vcvt.f32.s32 v3;
	v4 =	vtrunc.f32 v5  }
0x46: {  	v2 =	vadd.f32 $8.000000000e+00, v6;
	v4 =	vcvt.f32.s32 v4;
	[tilespmem:s28+$0x80B0] =	vst v1  }
0x47: {  	v1 =	vperm.xlane v0, v1;
	[tilespmem:s28+$0x8080] =	vst v3  }
0x48: {  	v2 =	vtrunc.f32 v2;
	v3 =	vperm.xlane v0, v3;
	[tilespmem:s28+$0x8090] =	vst v4  }
0x49: {  	[tilespmem:s28+$0x100B0] =	vst v1;
	v1 =	vcvt.f32.s32 v2  }
0x4a: {  	[tilespmem:s28+$0x10080] =	vst v3;
	v2 =	vperm.xlane v0, v4  }
0x4b: {  	[tilespmem:s28+$0x80A0] =	vst v1;
	v1 =	vperm.xlane v0, v1  }
0x4c: {  	[tilespmem:s28+$0x10090] =	vst v2  }
0x4d: {  	s31 =	simm.s32 $0x0;
	[tilespmem:s28+$0x100A0] =	vst v1  }
0x4e: {  	[hbm4b:s6+s31] =	stream.linear.scatter [tilespmem:s15], [sflag:$0x3], $0x4000, $0x38;
	[tilespmem:$0x18080] =	vst v63  }
0x4f: {  	_ = 	snop  }
0x50: {  	[hbm4b:s7+s31] =	stream.linear.scatter [tilespmem:s16], [sflag:$0x5], $0x4000, $0x38;
	[tilespmem:$0x18080] =	vst v63  }
0x51: {  	_ =	swait.ge [sflag:s17], $0x4000  }
0x52: {  	[sflag:s17] =	ssyncset.done $0x0  }
0x53: {  	s26 =	simm.s32 $0x0;
	[sflag:s17] =	ssyncadd.s32 $0xFFFFC000  }
0x54: {  	v1 =	vld [tilespmem:s26+$0x40B0]  }
0x55: {  	v2 =	vld [tilespmem:s26+$0x4080]  }
0x56: {  	v3 =	vld [tilespmem:s26+$0x4090];
	_ =	sdelay $0x1  }
0x57: {  	v4 =	vld [tilespmem:s26+$0x40A0]  }
0x58: {  	v1 =	vmax.f32 v1, $-1.000000000e+00  }
0x59: {  	v2 =	vmax.f32 v2, $-1.000000000e+00;
	v1 =	vmin.f32 v1, $1.000000000e+00  }
0x5a: {  	v3 =	vmax.f32 v3, $-1.000000000e+00;
	v2 =	vmin.f32 v2, $1.000000000e+00;
	v1 =	vmul.f32 $7.500000000e+00, v1  }
0x5b: {  	s25 =	simm.s32 $0x80;
	v3 =	vmin.f32 v3, $1.000000000e+00;
	v2 =	vmul.f32 $7.500000000e+00, v2  }
0x5c: {  	v5 =	vld [tilespmem:s25+$0x40B0];
	v4 =	vmax.f32 v4, $-1.000000000e+00;
	v3 =	vmul.f32 $7.500000000e+00, v3;
	v1 =	vadd.f32 $8.000000000e+00, v1  }
0x5d: {  	v4 =	vmin.f32 v4, $1.000000000e+00;
	v2 =	vadd.f32 $8.000000000e+00, v2  }
0x5e: {  	v6 =	vld [tilespmem:s25+$0x4080];
	v4 =	vmul.f32 $7.500000000e+00, v4;
	v3 =	vadd.f32 $8.000000000e+00, v3;
	v1 =	vtrunc.f32 v1  }
0x5f: {  	v7 =	vld [tilespmem:s25+$0x4090];
	v2 =	vtrunc.f32 v2;
	v1 =	vcvt.f32.s32 v1  }
0x60: {  	v8 =	vld [tilespmem:s25+$0x40A0];
	v4 =	vadd.f32 $8.000000000e+00, v4;
	v63 =	vcvt.f32.s32 v2;
	v2 =	vtrunc.f32 v3  }
0x61: {  	v5 =	vmax.f32 v5, $-1.000000000e+00;
	v2 =	vcvt.f32.s32 v2;
	[tilespmem:s26+$0xC0B0] =	vst v1  }
0x62: {  	v5 =	vmin.f32 v5, $1.000000000e+00;
	v3 =	vtrunc.f32 v4;
	v4 =	vperm.xlane v0, v1;
	[tilespmem:s26+$0xC080] =	vst v63  }
0x63: {  	v1 =	vcvt.f32.s32 v3;
	v3 =	vmax.f32 v6, $-1.000000000e+00;
	v6 =	vperm.xlane v0, v63;
	[tilespmem:s26+$0xC090] =	vst v2  }
0x64: {  	v5 =	vmul.f32 $7.500000000e+00, v5;
	v3 =	vmin.f32 v3, $1.000000000e+00;
	[tilespmem:s26+$0x140B0] =	vst v4;
	v4 =	vmax.f32 v7, $-1.000000000e+00  }
0x65: {  	v3 =	vmul.f32 $7.500000000e+00, v3;
	v7 =	vmax.f32 v8, $-1.000000000e+00;
	[tilespmem:s26+$0x14080] =	vst v6;
	v4 =	vmin.f32 v4, $1.000000000e+00  }
0x66: {  	s29 =	simm.s32 $0x600;
	s28 =	simm.s32 $0x100;
	v5 =	vadd.f32 $8.000000000e+00, v5;
	[tilespmem:s26+$0xC0A0] =	vst v1;
	v6 =	vmin.f32 v7, $1.000000000e+00;
	v4 =	vmul.f32 $7.500000000e+00, v4  }
.LBB2_4:
0x67: {  	p0 =	sne.s32 s29, $0xFE00;
	v7 =	vld [tilespmem:s28+$0x40B0];
	v3 =	vadd.f32 $8.000000000e+00, v3;
	v6 =	vmul.f32 $7.500000000e+00, v6;
	v2 =	vperm.xlane v0, v2  }
0x68: {  	v1 =	vperm.xlane v0, v1;
	v8 =	vld [tilespmem:s28+$0x4080];
	v4 =	vadd.f32 $8.000000000e+00, v4;
	v5 =	vtrunc.f32 v5  }
0x69: {  	v9 =	vld [tilespmem:s28+$0x4090];
	v3 =	vtrunc.f32 v3;
	v6 =	vadd.f32 $8.000000000e+00, v6;
	v5 =	vcvt.f32.s32 v5;
	[tilespmem:s26+$0x14090] =	vst v2  }
0x6a: {  	v10 =	vld [tilespmem:s28+$0x40A0];
	v3 =	vcvt.f32.s32 v3;
	v2 =	vtrunc.f32 v4;
	[tilespmem:s26+$0x140A0] =	vst v1;
	s26 =	smov.u32 s25;
	s25 =	smov.u32 s28  }
0x6b: {  	v1 =	vtrunc.f32 v6;
	[tilespmem:s26+$0xC0B0] =	vst v5;
	v4 =	vperm.xlane v0, v5  }
.Ltmp1:
0x6c: {  	v2 =	vcvt.f32.s32 v2;
	v5 =	vmax.f32 v7, $-1.000000000e+00;
	[tilespmem:s26+$0xC080] =	vst v3;
	v1 =	vcvt.f32.s32 v1;
	(pc) =	sbr.rel @p0 .LBB2_4-.Ltmp1, $4  }
0x6d: {  	v7 =	vperm.xlane v0, v3;
	v6 =	vmax.f32 v8, $-1.000000000e+00;
	v5 =	vmin.f32 v5, $1.000000000e+00;
	[tilespmem:s26+$0x140B0] =	vst v4  }
0x6e: {  	v3 =	vmin.f32 v6, $1.000000000e+00;
	v4 =	vmax.f32 v9, $-1.000000000e+00;
	v5 =	vmul.f32 $7.500000000e+00, v5;
	[tilespmem:s26+$0xC090] =	vst v2  }
0x6f: {  	v3 =	vmul.f32 $7.500000000e+00, v3;
	v4 =	vmin.f32 v4, $1.000000000e+00;
	v6 =	vmax.f32 v10, $-1.000000000e+00;
	[tilespmem:s26+$0x14080] =	vst v7  }
0x70: {  	s28 =	sshra.s32 s29, $0x2;
	s29 =	sadd.s32 $0x200, s29;
	v4 =	vmul.f32 $7.500000000e+00, v4;
	v6 =	vmin.f32 v6, $1.000000000e+00;
	v5 =	vadd.f32 $8.000000000e+00, v5;
	[tilespmem:s26+$0xC0A0] =	vst v1  }
0x71: {  	v7 =	vld [tilespmem:s28+$0x40B0];
	v3 =	vadd.f32 $8.000000000e+00, v3;
	v6 =	vmul.f32 $7.500000000e+00, v6;
	v2 =	vperm.xlane v0, v2  }
0x72: {  	v8 =	vld [tilespmem:s28+$0x4080];
	v1 =	vperm.xlane v0, v1;
	v4 =	vadd.f32 $8.000000000e+00, v4;
	v5 =	vtrunc.f32 v5  }
0x73: {  	v9 =	vld [tilespmem:s28+$0x4090];
	v3 =	vtrunc.f32 v3;
	v6 =	vadd.f32 $8.000000000e+00, v6;
	v5 =	vcvt.f32.s32 v5  }
0x74: {  	v10 =	vld [tilespmem:s28+$0x40A0];
	v3 =	vcvt.f32.s32 v3;
	v4 =	vtrunc.f32 v4  }
0x75: {  	[tilespmem:s26+$0x14090] =	vst v2;
	v51 =	vtrunc.f32 v6;
	v52 =	vperm.xlane v0, v5  }
0x76: {  	[tilespmem:s26+$0x140A0] =	vst v1;
	v4 =	vcvt.f32.s32 v4;
	v53 =	vmax.f32 v7, $-1.000000000e+00;
	v2 =	vcvt.f32.s32 v51  }
0x77: {  	[tilespmem:s25+$0xC0B0] =	vst v5;
	v54 =	vmax.f32 v8, $-1.000000000e+00;
	v55 =	vperm.xlane v0, v3;
	v1 =	vmin.f32 v53, $1.000000000e+00  }
0x78: {  	[tilespmem:s25+$0xC080] =	vst v3;
	v57 =	vmax.f32 v9, $-1.000000000e+00;
	v56 =	vmin.f32 v54, $1.000000000e+00;
	v1 =	vmul.f32 $7.500000000e+00, v1  }
0x79: {  	v58 =	vmax.f32 v10, $-1.000000000e+00;
	[tilespmem:s25+$0x140B0] =	vst v52;
	v5 =	vmin.f32 v57, $1.000000000e+00;
	v3 =	vmul.f32 $7.500000000e+00, v56  }
0x7a: {  	[tilespmem:s25+$0xC090] =	vst v4;
	v6 =	vmin.f32 v58, $1.000000000e+00;
	v5 =	vmul.f32 $7.500000000e+00, v5;
	v1 =	vadd.f32 $8.000000000e+00, v1  }
0x7b: {  	v4 =	vperm.xlane v0, v4;
	[tilespmem:s25+$0x14080] =	vst v55;
	v6 =	vmul.f32 $7.500000000e+00, v6;
	v3 =	vadd.f32 $8.000000000e+00, v3  }
0x7c: {  	[tilespmem:s25+$0xC0A0] =	vst v2;
	v2 =	vperm.xlane v0, v2;
	v5 =	vadd.f32 $8.000000000e+00, v5;
	v1 =	vtrunc.f32 v1  }
0x7d: {  	[tilespmem:s25+$0x14090] =	vst v4;
	v59 =	vadd.f32 $8.000000000e+00, v6;
	v3 =	vtrunc.f32 v3;
	v1 =	vcvt.f32.s32 v1  }
0x7e: {  	[tilespmem:s25+$0x140A0] =	vst v2;
	v60 =	vtrunc.f32 v5;
	v3 =	vcvt.f32.s32 v3  }
0x7f: {  	v2 =	vtrunc.f32 v59;
	v4 =	vcvt.f32.s32 v60;
	[tilespmem:s28+$0xC0B0] =	vst v1  }
0x80: {  	v61 =	vcvt.f32.s32 v2;
	[tilespmem:s28+$0xC080] =	vst v3  }
0x81: {  	v1 =	vperm.xlane v0, v1;
	[tilespmem:s28+$0xC090] =	vst v4  }
0x82: {  	v3 =	vperm.xlane v0, v3;
	[tilespmem:s28+$0xC0A0] =	vst v61  }
0x83: {  	v62 =	vperm.xlane v0, v4;
	[tilespmem:s28+$0x140B0] =	vst v1  }
0x84: {  	v63 =	vperm.xlane v0, v61;
	[tilespmem:s28+$0x14080] =	vst v3  }
0x85: {  	[tilespmem:s28+$0x14090] =	vst v62  }
0x86: {  	[tilespmem:s28+$0x140A0] =	vst v63  }
0x87: {  	[hbm4b:s8+s3] =	stream.linear.scatter [tilespmem:s18], [sflag:$0x4], $0x4000, $0x38;
	[tilespmem:$0x18080] =	vst v63  }
0x88: {  	_ = 	snop  }
0x89: {  	[hbm4b:s9+s3] =	stream.linear.scatter [tilespmem:s19], [sflag:$0x6], $0x4000, $0x38;
	[tilespmem:$0x18080] =	vst v63  }
0x8a: {  	_ =	swait.ge [sflag:s20], $0x4000  }
0x8b: {  	[sflag:s20] =	ssyncset.done $0x0  }
0x8c: {  	[sflag:s20] =	ssyncadd.s32 $0xFFFFC000  }
0x8d: {  	_ =	swait.ge [sflag:s21], $0x4000  }
0x8e: {  	[sflag:s21] =	ssyncset.done $0x0  }
0x8f: {  	s24 =	sadd.s32 $0x1, s24;
	[sflag:s21] =	ssyncadd.s32 $0xFFFFC000  }
0x90: {  	p0 =	sne.s32 s24, s10;
	_ =	swait.ge [sflag:s22], $0x4000  }
.Ltmp2:
0x91: {  	[sflag:s22] =	ssyncset.done $0x0;
	(pc) =	sbr.rel @p0 .LBB2_1-.Ltmp2, $4  }
0x92: {  	[sflag:s22] =	ssyncadd.s32 $0xFFFFC000  }
0x93: {  	_ =	swait.ge [sflag:s23], $0x4000  }
0x94: {  	[sflag:s23] =	ssyncset.done $0x0  }
0x95: {  	[sflag:s23] =	ssyncadd.s32 $0xFFFFC000  }
0x96: {  	_ =	sfence.sel $0x180000  }
0x97: {  	[bflag:$0x0] =	sbarrier.arrive $0xFFFF  }
0x98: {  	p0 =	sne.s32 s1, $0x0;
	_ =	strace $0x90000047  }
0x99: {  	s0 =	sadd.s32 @!p0 $0x100000, s0;
	[bflag:$0x2] =	sbarrier.arrive $0xFFFF  }
0x9a: {  	[sflag:s0] =	ssyncadd.tile.s32 @!p0 $0x1;
	_ =	shalt  }
.Lfunc_end2:
_tile_overlayer_lowered:
.L_overlay_start_2:
0x9b: {  	(tag) =	ssettag $0x2  }
0x9c: {  	s0 =	rddreg [dreg:$0x0];
	s2 =	stileid.u32  }
0x9d: {  	s1 =	rddreg [dreg:$0x1];
	p0 =	sne.s32 s2, $0x0  }
0x9e: {  	s3 =	rddreg [dreg:$0x2];
	[bflag:$0x3] =	sbarrier.arrive $0xFFFF;
	s2 =	simm.s32 @!p0 $0x1C07  }
0x9f: {  	[timem:s3], [sflag:s2] =	dma.local @!p0 [hbm:s0], s1  }
0xa0: {  	s0 =	simm.s32 @!p0 $0x7  }
0xa1: {  	_ =	swait.ge @!p0 [sflag:s0], s1  }
0xa2: {  	s1 =	ssub.s32 @!p0 $0x0, s1;
	[sflag:s0] =	ssyncset.done @!p0 $0x0  }
0xa3: {  	[sflag:s0] =	ssyncadd.s32 @!p0 s1  }
0xa4: {  	[bflag:$0x3] =	sbarrier.arrive $0xFFFF  }
0xa5: {  	_ =	shalt  }

</sc_bundles>
